<compile_context>
chip_gen: v7x
topology: tpu7x:2x2x1
jax: 0.10.2.dev20260603
libtpu: 0.0.44.dev20260713+nightly
codegen_flags: <defaults>
</compile_context>

<pallas_src>
import functools

import jax
import jax.numpy as jnp
from jax import lax
from jax.experimental import pallas as pl
from jax.experimental.pallas import tpu as pltpu
from jax.experimental.pallas import tpu_sc as plsc

N = 50000
D = 256
H = 256
B = 512
S = 100

NW = 32
CHUNK = 1568
STEPS = CHUNK // 16
LAST = N - 31 * CHUNK
LAST_STEPS = LAST // 16
ACC_W = 528
BLK = 8192
GRID = pl.cdiv(N, BLK)
SPAD = 128


_DN = (((0,), (1,)), ((), ()))


def _mlp_body(x_ref, w1b_ref, w1r_ref, aux_ref, b2_ref, o_ref):
    xb = x_ref[...].astype(jnp.bfloat16)
    hT = lax.dot_general(w1b_ref[...], xb, _DN,
                         preferred_element_type=jnp.float32)
    hT += lax.dot_general(w1r_ref[...], xb, _DN,
                          preferred_element_type=jnp.float32)
    hT = jnp.maximum(hT + aux_ref[:, 0:1], 0.0)
    o_ref[...] = jnp.sum(hT * aux_ref[:, 1:2], axis=0) + b2_ref[0, 0]


def _mlp(x, W1b, W1r, aux, b2r):
    return pl.pallas_call(
        _mlp_body,
        grid=(GRID,),
        in_specs=[
            pl.BlockSpec((BLK, D), lambda i: (i, 0)),
            pl.BlockSpec((D, H), lambda i: (0, 0)),
            pl.BlockSpec((D, H), lambda i: (0, 0)),
            pl.BlockSpec((H, 2), lambda i: (0, 0)),
            pl.BlockSpec(memory_space=pltpu.SMEM),
        ],
        out_specs=pl.BlockSpec((BLK,), lambda i: (i,)),
        out_shape=jax.ShapeDtypeStruct((N,), jnp.float32),
        compiler_params=pltpu.CompilerParams(
            dimension_semantics=("arbitrary",)),
    )(x, W1b, W1r, aux, b2r)


def _sc_body(e_hbm, z_hbm, bt_hbm, sc_hbm, sh_hbm, out_hbm,
             e_v, z_v, bt_v, sc_v, sh_v, acc, part, big, shared):
    cid = lax.axis_index("c")
    sid = lax.axis_index("s")
    wid = cid * 16 + sid
    base = wid * CHUNK

    @pl.when(wid < NW - 1)
    def _():
        pltpu.sync_copy(e_hbm.at[pl.ds(base, CHUNK)], e_v)
        pltpu.sync_copy(z_hbm.at[pl.ds(base, CHUNK)], z_v)
        pltpu.sync_copy(bt_hbm.at[pl.ds(base, CHUNK)], bt_v)

    @pl.when(wid == NW - 1)
    def _():
        lo = (NW - 1) * CHUNK
        pltpu.sync_copy(e_hbm.at[pl.ds(lo, LAST)], e_v.at[pl.ds(0, LAST)])
        pltpu.sync_copy(z_hbm.at[pl.ds(lo, LAST)], z_v.at[pl.ds(0, LAST)])
        pltpu.sync_copy(bt_hbm.at[pl.ds(lo, LAST)], bt_v.at[pl.ds(0, LAST)])
        zf = jnp.zeros((16,), jnp.float32)
        zi = jnp.zeros((16,), jnp.int32)
        trash = jnp.full((16,), B, jnp.int32)
        for k in range(LAST, CHUNK, 16):
            e_v[pl.ds(k, 16)] = zf
            z_v[pl.ds(k, 16)] = zi
            bt_v[pl.ds(k, 16)] = trash

    pltpu.sync_copy(sc_hbm, sc_v.at[pl.ds(0, S)])
    pltpu.sync_copy(sh_hbm, sh_v.at[pl.ds(0, S)])

    zeros16 = jnp.zeros((16,), jnp.float32)
    lanes = lax.iota(jnp.int32, 16)
    row_off = lanes * ACC_W

    def zero_body(j, c):
        base0 = j * 128
        for u in range(8):
            acc[pl.ds(base0 + u * 16, 16)] = zeros16
        return c
    lax.fori_loop(0, 16 * ACC_W // 128, zero_body, 0)

    def step(j, c):
        for u in range(7):
            off = (j * 7 + u) * 16
            ev = e_v[pl.ds(off, 16)]
            zv = z_v[pl.ds(off, 16)]
            bv = bt_v[pl.ds(off, 16)]
            s = plsc.load_gather(sc_v, [zv])
            sh = plsc.load_gather(sh_v, [zv])
            plsc.addupdate_scatter(acc, [row_off + bv], ev * s + sh)
        return c
    lax.fori_loop(0, STEPS // 7, step, 0)

    def fold(j, c):
        col = j * 16
        v = acc[pl.ds(col, 16)]
        for r in range(1, 16):
            v = v + acc[pl.ds(r * ACC_W + col, 16)]
        part[pl.ds(col, 16)] = v
        return c
    lax.fori_loop(0, B // 16, fold, 0)

    pltpu.sync_copy(part, shared.at[sid])
    plsc.subcore_barrier()

    @pl.when(sid == 0)
    def _():
        for r in range(16):
            pltpu.sync_copy(shared.at[r], big.at[pl.ds(r * B, B)])

        def fold2(j, c):
            col = j * 16
            v = big[pl.ds(col, 16)]
            for r in range(1, 16):
                v = v + big[pl.ds(r * B + col, 16)]
            part[pl.ds(col, 16)] = v
            return c
        lax.fori_loop(0, B // 16, fold2, 0)
        pltpu.sync_copy(part, out_hbm.at[cid])


@functools.cache
def _sc_segsum():
  return functools.partial(
    pl.kernel,
    out_type=jax.ShapeDtypeStruct((2, B), jnp.float32),
    mesh=plsc.VectorSubcoreMesh(core_axis_name="c", subcore_axis_name="s",
                                num_cores=2, num_subcores=16),
    scratch_types=[
        pltpu.VMEM((CHUNK,), jnp.float32),
        pltpu.VMEM((CHUNK,), jnp.int32),
        pltpu.VMEM((CHUNK,), jnp.int32),
        pltpu.VMEM((112,), jnp.float32),
        pltpu.VMEM((112,), jnp.float32),
        pltpu.VMEM((16 * ACC_W,), jnp.float32),
        pltpu.VMEM((B,), jnp.float32),
        pltpu.VMEM((16 * B,), jnp.float32),
        pltpu.VMEM_SHARED((16, B), jnp.float32),
    ],
    compiler_params=pltpu.CompilerParams(needs_layout_passes=False),
  )(_sc_body)


def kernel(x, W1, b1, W2, b2, scale, shift, Z, batch):
    aux = jnp.concatenate([b1.reshape(H, 1), W2], axis=1)
    w1b = W1.astype(jnp.bfloat16)
    w1r = (W1 - w1b.astype(jnp.float32)).astype(jnp.bfloat16)
    e = _mlp(x, w1b, w1r, aux, b2.reshape(1, 1))
    parts = _sc_segsum()(e, Z.astype(jnp.int32), batch.astype(jnp.int32),
                         scale, shift)
    return parts[0] + parts[1]

# --- scband reference (transcript-rebuilt; emitter-appended) ---
"""Pipeline reference for scband-graph-pesmodel-34857954574517 (READ-ONLY COPY).

The authoritative reference and input builder live on the scoring server;
editing this copy changes nothing except your own understanding.
"""

import jax, jax.numpy as jnp
import numpy as np

N = 50000
D = 256
H = 256
B = 512
S = 100


def setup_inputs(seed: int = 0) -> dict:
    key = jax.random.key(seed)
    ks = jax.random.split(key, 8)
    x = jax.random.normal(ks[0], (N, D), dtype=jnp.float32)
    Z = jax.random.randint(ks[1], (N,), 0, S)
    batch = jnp.sort(jax.random.randint(ks[2], (N,), 0, B))
    W1 = jax.random.normal(ks[3], (D, H), dtype=jnp.float32) / np.sqrt(D)
    b1 = jnp.zeros((H,), dtype=jnp.float32)
    W2 = jax.random.normal(ks[4], (H, 1), dtype=jnp.float32) / np.sqrt(H)
    b2 = jnp.zeros((1,), dtype=jnp.float32)
    scale = jnp.ones((S,), dtype=jnp.float32) + 0.1 * jax.random.normal(ks[5], (S,), dtype=jnp.float32)
    shift = 0.1 * jax.random.normal(ks[6], (S,), dtype=jnp.float32)
    return {"x": x, "W1": W1, "b1": b1, "W2": W2, "b2": b2,
            "scale": scale, "shift": shift, "Z": Z, "batch": batch}


def reference(x, W1, b1, W2, b2, scale, shift, Z, batch):
    # predict_local_energies: per-atom MLP -> local energy per atom (N,)
    h = jax.nn.relu(x @ W1 + b1)
    local_energies = (h @ W2 + b2).squeeze(-1)
    # energy_transform: per-species scale + shift (gather by atomic number Z)
    transformed = local_energies * jnp.take(scale, Z, axis=0) + jnp.take(shift, Z, axis=0)
    # sum_per_structure: segment-sum of per-atom energies into per-structure totals (B,)
    total_energy = jax.ops.segment_sum(transformed, batch, num_segments=B)
    return total_energy

if __name__ == "__main__":
    import jax
    _d = setup_inputs()
    print(jax.jit(kernel)(*tuple(_d.values())))

</pallas_src>

<mosaic_0001>
#map = affine_map<(d0, d1) -> (0)>
#map1 = affine_map<(d0, d1) -> (0, 0)>
module attributes {stable_mosaic.version = 14 : i64} {
  func.func @_sc_body(%arg0: i32, %arg1: i32, %arg2: memref<50000xf32, #tpu.memory_space<hbm>>, %arg3: memref<50000xi32, #tpu.memory_space<hbm>>, %arg4: memref<50000xi32, #tpu.memory_space<hbm>>, %arg5: memref<100xf32, #tpu.memory_space<hbm>>, %arg6: memref<100xf32, #tpu.memory_space<hbm>>, %arg7: memref<2x512xf32, #tpu.memory_space<hbm>>, %arg8: memref<1568xf32, #tpu.memory_space<vmem>>, %arg9: memref<1568xi32, #tpu.memory_space<vmem>>, %arg10: memref<1568xi32, #tpu.memory_space<vmem>>, %arg11: memref<112xf32, #tpu.memory_space<vmem>>, %arg12: memref<112xf32, #tpu.memory_space<vmem>>, %arg13: memref<8448xf32, #tpu.memory_space<vmem>>, %arg14: memref<512xf32, #tpu.memory_space<vmem>>, %arg15: memref<8192xf32, #tpu.memory_space<vmem>>, %arg16: memref<16x512xf32, #tpu.memory_space<vmem_shared>>) attributes {dimension_semantics = [#tpu.dimension_semantics<core_parallel>, #tpu.dimension_semantics<subcore_parallel>], iteration_bounds = array<i64: 2, 16>, scalar_prefetch = 0 : i64, scratch_operands = 9 : i64, tpu.core_type = #tpu.core_type<sc_vector_subcore>, window_params = [{transform_indices = #map}, {transform_indices = #map}, {transform_indices = #map}, {transform_indices = #map}, {transform_indices = #map}, {transform_indices = #map1}]} {
    %mul3A = arith.constant 16 : i32
    %mul3A_0 = arith.muli %arg0, %mul3A : i32
    %add3A = arith.addi %mul3A_0, %arg1 : i32
    %mul3A_1 = arith.constant 1568 : i32
    %mul3A_2 = arith.muli %add3A, %mul3A_1 : i32
    %lt3A = arith.constant 31 : i32
    %lt3A_3 = arith.cmpi slt, %add3A, %lt3A : i32
    %convert_element_type3A = arith.extui %lt3A_3 : i1 to i32
    %cond3A = arith.constant 0 : i32
    %cond3A_4 = arith.cmpi ne, %convert_element_type3A, %cond3A : i32
    scf.if %cond3A_4 {
      "tpu.region"() ({
        %run_scoped3A = tpu.sem_alloc : memref<!tpu.dma_semaphore, #tpu.memory_space<semaphore_mem>>
        %dma_start3A = tpu.memref_slice %arg2[%mul3A_2] : memref<50000xf32, #tpu.memory_space<hbm>> -> memref<1568xf32, #tpu.memory_space<hbm>>
        %dma_start3A_35 = tpu.memref_slice %arg2[%mul3A_2] : memref<50000xf32, #tpu.memory_space<hbm>> -> memref<1568xf32, #tpu.memory_space<hbm>>
        tpu.enqueue_dma source(%dma_start3A_35 : memref<1568xf32, #tpu.memory_space<hbm>>) target(%arg8 : memref<1568xf32, #tpu.memory_space<vmem>>) target_semaphore(%run_scoped3A : memref<!tpu.dma_semaphore, #tpu.memory_space<semaphore_mem>>)
        %dma_wait3A = tpu.memref_slice %arg2[%mul3A_2] : memref<50000xf32, #tpu.memory_space<hbm>> -> memref<1568xf32, #tpu.memory_space<hbm>>
        %dma_wait3A_36 = tpu.memref_slice %arg2[%mul3A_2] : memref<50000xf32, #tpu.memory_space<hbm>> -> memref<1568xf32, #tpu.memory_space<hbm>>
        tpu.wait_dma2 semaphore(%run_scoped3A : memref<!tpu.dma_semaphore, #tpu.memory_space<semaphore_mem>>) src(%dma_wait3A_36 : memref<1568xf32, #tpu.memory_space<hbm>>) dst(%arg8 : memref<1568xf32, #tpu.memory_space<vmem>>)
        tpu.yield
      }) : () -> ()
      "tpu.region"() ({
        %run_scoped3A = tpu.sem_alloc : memref<!tpu.dma_semaphore, #tpu.memory_space<semaphore_mem>>
        %dma_start3A = tpu.memref_slice %arg3[%mul3A_2] : memref<50000xi32, #tpu.memory_space<hbm>> -> memref<1568xi32, #tpu.memory_space<hbm>>
        %dma_start3A_35 = tpu.memref_slice %arg3[%mul3A_2] : memref<50000xi32, #tpu.memory_space<hbm>> -> memref<1568xi32, #tpu.memory_space<hbm>>
        tpu.enqueue_dma source(%dma_start3A_35 : memref<1568xi32, #tpu.memory_space<hbm>>) target(%arg9 : memref<1568xi32, #tpu.memory_space<vmem>>) target_semaphore(%run_scoped3A : memref<!tpu.dma_semaphore, #tpu.memory_space<semaphore_mem>>)
        %dma_wait3A = tpu.memref_slice %arg3[%mul3A_2] : memref<50000xi32, #tpu.memory_space<hbm>> -> memref<1568xi32, #tpu.memory_space<hbm>>
        %dma_wait3A_36 = tpu.memref_slice %arg3[%mul3A_2] : memref<50000xi32, #tpu.memory_space<hbm>> -> memref<1568xi32, #tpu.memory_space<hbm>>
        tpu.wait_dma2 semaphore(%run_scoped3A : memref<!tpu.dma_semaphore, #tpu.memory_space<semaphore_mem>>) src(%dma_wait3A_36 : memref<1568xi32, #tpu.memory_space<hbm>>) dst(%arg9 : memref<1568xi32, #tpu.memory_space<vmem>>)
        tpu.yield
      }) : () -> ()
      "tpu.region"() ({
        %run_scoped3A = tpu.sem_alloc : memref<!tpu.dma_semaphore, #tpu.memory_space<semaphore_mem>>
        %dma_start3A = tpu.memref_slice %arg4[%mul3A_2] : memref<50000xi32, #tpu.memory_space<hbm>> -> memref<1568xi32, #tpu.memory_space<hbm>>
        %dma_start3A_35 = tpu.memref_slice %arg4[%mul3A_2] : memref<50000xi32, #tpu.memory_space<hbm>> -> memref<1568xi32, #tpu.memory_space<hbm>>
        tpu.enqueue_dma source(%dma_start3A_35 : memref<1568xi32, #tpu.memory_space<hbm>>) target(%arg10 : memref<1568xi32, #tpu.memory_space<vmem>>) target_semaphore(%run_scoped3A : memref<!tpu.dma_semaphore, #tpu.memory_space<semaphore_mem>>)
        %dma_wait3A = tpu.memref_slice %arg4[%mul3A_2] : memref<50000xi32, #tpu.memory_space<hbm>> -> memref<1568xi32, #tpu.memory_space<hbm>>
        %dma_wait3A_36 = tpu.memref_slice %arg4[%mul3A_2] : memref<50000xi32, #tpu.memory_space<hbm>> -> memref<1568xi32, #tpu.memory_space<hbm>>
        tpu.wait_dma2 semaphore(%run_scoped3A : memref<!tpu.dma_semaphore, #tpu.memory_space<semaphore_mem>>) src(%dma_wait3A_36 : memref<1568xi32, #tpu.memory_space<hbm>>) dst(%arg10 : memref<1568xi32, #tpu.memory_space<vmem>>)
        tpu.yield
      }) : () -> ()
    } else {
    }
    %eq3A = arith.constant 31 : i32
    %eq3A_5 = arith.cmpi eq, %add3A, %eq3A : i32
    %convert_element_type3A_6 = arith.extui %eq3A_5 : i1 to i32
    %cond3A_7 = arith.constant 0 : i32
    %cond3A_8 = arith.cmpi ne, %convert_element_type3A_6, %cond3A_7 : i32
    scf.if %cond3A_8 {
      "tpu.region"() ({
        %run_scoped3A = tpu.sem_alloc : memref<!tpu.dma_semaphore, #tpu.memory_space<semaphore_mem>>
        %dma_start3A = arith.constant 0 : i32
        %dma_start3A_106 = tpu.memref_slice %arg8[%dma_start3A] : memref<1568xf32, #tpu.memory_space<vmem>> -> memref<1392xf32, #tpu.memory_space<vmem>>
        %dma_start3A_107 = arith.constant 48608 : i32
        %dma_start3A_108 = tpu.memref_slice %arg2[%dma_start3A_107] : memref<50000xf32, #tpu.memory_space<hbm>> -> memref<1392xf32, #tpu.memory_space<hbm>>
        %dma_start3A_109 = arith.constant 0 : i32
        %dma_start3A_110 = tpu.memref_slice %arg8[%dma_start3A_109] : memref<1568xf32, #tpu.memory_space<vmem>> -> memref<1392xf32, #tpu.memory_space<vmem>>
        %dma_start3A_111 = arith.constant 48608 : i32
        %dma_start3A_112 = tpu.memref_slice %arg2[%dma_start3A_111] : memref<50000xf32, #tpu.memory_space<hbm>> -> memref<1392xf32, #tpu.memory_space<hbm>>
        tpu.enqueue_dma source(%dma_start3A_112 : memref<1392xf32, #tpu.memory_space<hbm>>) target(%dma_start3A_110 : memref<1392xf32, #tpu.memory_space<vmem>>) target_semaphore(%run_scoped3A : memref<!tpu.dma_semaphore, #tpu.memory_space<semaphore_mem>>)
        %dma_wait3A = arith.constant 0 : i32
        %dma_wait3A_113 = tpu.memref_slice %arg8[%dma_wait3A] : memref<1568xf32, #tpu.memory_space<vmem>> -> memref<1392xf32, #tpu.memory_space<vmem>>
        %dma_wait3A_114 = arith.constant 48608 : i32
        %dma_wait3A_115 = tpu.memref_slice %arg2[%dma_wait3A_114] : memref<50000xf32, #tpu.memory_space<hbm>> -> memref<1392xf32, #tpu.memory_space<hbm>>
        %dma_wait3A_116 = arith.constant 0 : i32
        %dma_wait3A_117 = tpu.memref_slice %arg8[%dma_wait3A_116] : memref<1568xf32, #tpu.memory_space<vmem>> -> memref<1392xf32, #tpu.memory_space<vmem>>
        %dma_wait3A_118 = arith.constant 48608 : i32
        %dma_wait3A_119 = tpu.memref_slice %arg2[%dma_wait3A_118] : memref<50000xf32, #tpu.memory_space<hbm>> -> memref<1392xf32, #tpu.memory_space<hbm>>
        tpu.wait_dma2 semaphore(%run_scoped3A : memref<!tpu.dma_semaphore, #tpu.memory_space<semaphore_mem>>) src(%dma_wait3A_119 : memref<1392xf32, #tpu.memory_space<hbm>>) dst(%dma_wait3A_117 : memref<1392xf32, #tpu.memory_space<vmem>>)
        tpu.yield
      }) : () -> ()
      "tpu.region"() ({
        %run_scoped3A = tpu.sem_alloc : memref<!tpu.dma_semaphore, #tpu.memory_space<semaphore_mem>>
        %dma_start3A = arith.constant 0 : i32
        %dma_start3A_106 = tpu.memref_slice %arg9[%dma_start3A] : memref<1568xi32, #tpu.memory_space<vmem>> -> memref<1392xi32, #tpu.memory_space<vmem>>
        %dma_start3A_107 = arith.constant 48608 : i32
        %dma_start3A_108 = tpu.memref_slice %arg3[%dma_start3A_107] : memref<50000xi32, #tpu.memory_space<hbm>> -> memref<1392xi32, #tpu.memory_space<hbm>>
        %dma_start3A_109 = arith.constant 0 : i32
        %dma_start3A_110 = tpu.memref_slice %arg9[%dma_start3A_109] : memref<1568xi32, #tpu.memory_space<vmem>> -> memref<1392xi32, #tpu.memory_space<vmem>>
        %dma_start3A_111 = arith.constant 48608 : i32
        %dma_start3A_112 = tpu.memref_slice %arg3[%dma_start3A_111] : memref<50000xi32, #tpu.memory_space<hbm>> -> memref<1392xi32, #tpu.memory_space<hbm>>
        tpu.enqueue_dma source(%dma_start3A_112 : memref<1392xi32, #tpu.memory_space<hbm>>) target(%dma_start3A_110 : memref<1392xi32, #tpu.memory_space<vmem>>) target_semaphore(%run_scoped3A : memref<!tpu.dma_semaphore, #tpu.memory_space<semaphore_mem>>)
        %dma_wait3A = arith.constant 0 : i32
        %dma_wait3A_113 = tpu.memref_slice %arg9[%dma_wait3A] : memref<1568xi32, #tpu.memory_space<vmem>> -> memref<1392xi32, #tpu.memory_space<vmem>>
        %dma_wait3A_114 = arith.constant 48608 : i32
        %dma_wait3A_115 = tpu.memref_slice %arg3[%dma_wait3A_114] : memref<50000xi32, #tpu.memory_space<hbm>> -> memref<1392xi32, #tpu.memory_space<hbm>>
        %dma_wait3A_116 = arith.constant 0 : i32
        %dma_wait3A_117 = tpu.memref_slice %arg9[%dma_wait3A_116] : memref<1568xi32, #tpu.memory_space<vmem>> -> memref<1392xi32, #tpu.memory_space<vmem>>
        %dma_wait3A_118 = arith.constant 48608 : i32
        %dma_wait3A_119 = tpu.memref_slice %arg3[%dma_wait3A_118] : memref<50000xi32, #tpu.memory_space<hbm>> -> memref<1392xi32, #tpu.memory_space<hbm>>
        tpu.wait_dma2 semaphore(%run_scoped3A : memref<!tpu.dma_semaphore, #tpu.memory_space<semaphore_mem>>) src(%dma_wait3A_119 : memref<1392xi32, #tpu.memory_space<hbm>>) dst(%dma_wait3A_117 : memref<1392xi32, #tpu.memory_space<vmem>>)
        tpu.yield
      }) : () -> ()
      "tpu.region"() ({
        %run_scoped3A = tpu.sem_alloc : memref<!tpu.dma_semaphore, #tpu.memory_space<semaphore_mem>>
        %dma_start3A = arith.constant 0 : i32
        %dma_start3A_106 = tpu.memref_slice %arg10[%dma_start3A] : memref<1568xi32, #tpu.memory_space<vmem>> -> memref<1392xi32, #tpu.memory_space<vmem>>
        %dma_start3A_107 = arith.constant 48608 : i32
        %dma_start3A_108 = tpu.memref_slice %arg4[%dma_start3A_107] : memref<50000xi32, #tpu.memory_space<hbm>> -> memref<1392xi32, #tpu.memory_space<hbm>>
        %dma_start3A_109 = arith.constant 0 : i32
        %dma_start3A_110 = tpu.memref_slice %arg10[%dma_start3A_109] : memref<1568xi32, #tpu.memory_space<vmem>> -> memref<1392xi32, #tpu.memory_space<vmem>>
        %dma_start3A_111 = arith.constant 48608 : i32
        %dma_start3A_112 = tpu.memref_slice %arg4[%dma_start3A_111] : memref<50000xi32, #tpu.memory_space<hbm>> -> memref<1392xi32, #tpu.memory_space<hbm>>
        tpu.enqueue_dma source(%dma_start3A_112 : memref<1392xi32, #tpu.memory_space<hbm>>) target(%dma_start3A_110 : memref<1392xi32, #tpu.memory_space<vmem>>) target_semaphore(%run_scoped3A : memref<!tpu.dma_semaphore, #tpu.memory_space<semaphore_mem>>)
        %dma_wait3A = arith.constant 0 : i32
        %dma_wait3A_113 = tpu.memref_slice %arg10[%dma_wait3A] : memref<1568xi32, #tpu.memory_space<vmem>> -> memref<1392xi32, #tpu.memory_space<vmem>>
        %dma_wait3A_114 = arith.constant 48608 : i32
        %dma_wait3A_115 = tpu.memref_slice %arg4[%dma_wait3A_114] : memref<50000xi32, #tpu.memory_space<hbm>> -> memref<1392xi32, #tpu.memory_space<hbm>>
        %dma_wait3A_116 = arith.constant 0 : i32
        %dma_wait3A_117 = tpu.memref_slice %arg10[%dma_wait3A_116] : memref<1568xi32, #tpu.memory_space<vmem>> -> memref<1392xi32, #tpu.memory_space<vmem>>
        %dma_wait3A_118 = arith.constant 48608 : i32
        %dma_wait3A_119 = tpu.memref_slice %arg4[%dma_wait3A_118] : memref<50000xi32, #tpu.memory_space<hbm>> -> memref<1392xi32, #tpu.memory_space<hbm>>
        tpu.wait_dma2 semaphore(%run_scoped3A : memref<!tpu.dma_semaphore, #tpu.memory_space<semaphore_mem>>) src(%dma_wait3A_119 : memref<1392xi32, #tpu.memory_space<hbm>>) dst(%dma_wait3A_117 : memref<1392xi32, #tpu.memory_space<vmem>>)
        tpu.yield
      }) : () -> ()
      %broadcast_in_dim3A_35 = arith.constant 0.000000e+00 : f32
      %broadcast_in_dim3A_36 = vector.broadcast %broadcast_in_dim3A_35 : f32 to vector<16xf32>
      %broadcast_in_dim3A_37 = arith.constant 0 : i32
      %broadcast_in_dim3A_38 = vector.broadcast %broadcast_in_dim3A_37 : i32 to vector<16xi32>
      %broadcast_in_dim3A_39 = arith.constant 512 : i32
      %broadcast_in_dim3A_40 = vector.broadcast %broadcast_in_dim3A_39 : i32 to vector<16xi32>
      %swap3A = arith.constant 1392 : index
      %swap3A_41 = tpu.vector_load %arg8[%swap3A] {strides = array<i32>} : memref<1568xf32, #tpu.memory_space<vmem>>, vector<16xf32>,
      tpu.vector_store %arg8[%swap3A], %broadcast_in_dim3A_36 {strides = array<i32>} : memref<1568xf32, #tpu.memory_space<vmem>>, vector<16xf32>,
      %swap3A_42 = arith.constant 1392 : index
      %swap3A_43 = tpu.vector_load %arg9[%swap3A_42] {strides = array<i32>} : memref<1568xi32, #tpu.memory_space<vmem>>, vector<16xi32>,
      tpu.vector_store %arg9[%swap3A_42], %broadcast_in_dim3A_38 {strides = array<i32>} : memref<1568xi32, #tpu.memory_space<vmem>>, vector<16xi32>,
      %swap3A_44 = arith.constant 1392 : index
      %swap3A_45 = tpu.vector_load %arg10[%swap3A_44] {strides = array<i32>} : memref<1568xi32, #tpu.memory_space<vmem>>, vector<16xi32>,
      tpu.vector_store %arg10[%swap3A_44], %broadcast_in_dim3A_40 {strides = array<i32>} : memref<1568xi32, #tpu.memory_space<vmem>>, vector<16xi32>,
      %swap3A_46 = arith.constant 1408 : index
      %swap3A_47 = tpu.vector_load %arg8[%swap3A_46] {strides = array<i32>} : memref<1568xf32, #tpu.memory_space<vmem>>, vector<16xf32>,
      tpu.vector_store %arg8[%swap3A_46], %broadcast_in_dim3A_36 {strides = array<i32>} : memref<1568xf32, #tpu.memory_space<vmem>>, vector<16xf32>,
      %swap3A_48 = arith.constant 1408 : index
      %swap3A_49 = tpu.vector_load %arg9[%swap3A_48] {strides = array<i32>} : memref<1568xi32, #tpu.memory_space<vmem>>, vector<16xi32>,
      tpu.vector_store %arg9[%swap3A_48], %broadcast_in_dim3A_38 {strides = array<i32>} : memref<1568xi32, #tpu.memory_space<vmem>>, vector<16xi32>,
      %swap3A_50 = arith.constant 1408 : index
      %swap3A_51 = tpu.vector_load %arg10[%swap3A_50] {strides = array<i32>} : memref<1568xi32, #tpu.memory_space<vmem>>, vector<16xi32>,
      tpu.vector_store %arg10[%swap3A_50], %broadcast_in_dim3A_40 {strides = array<i32>} : memref<1568xi32, #tpu.memory_space<vmem>>, vector<16xi32>,
      %swap3A_52 = arith.constant 1424 : index
      %swap3A_53 = tpu.vector_load %arg8[%swap3A_52] {strides = array<i32>} : memref<1568xf32, #tpu.memory_space<vmem>>, vector<16xf32>,
      tpu.vector_store %arg8[%swap3A_52], %broadcast_in_dim3A_36 {strides = array<i32>} : memref<1568xf32, #tpu.memory_space<vmem>>, vector<16xf32>,
      %swap3A_54 = arith.constant 1424 : index
      %swap3A_55 = tpu.vector_load %arg9[%swap3A_54] {strides = array<i32>} : memref<1568xi32, #tpu.memory_space<vmem>>, vector<16xi32>,
      tpu.vector_store %arg9[%swap3A_54], %broadcast_in_dim3A_38 {strides = array<i32>} : memref<1568xi32, #tpu.memory_space<vmem>>, vector<16xi32>,
      %swap3A_56 = arith.constant 1424 : index
      %swap3A_57 = tpu.vector_load %arg10[%swap3A_56] {strides = array<i32>} : memref<1568xi32, #tpu.memory_space<vmem>>, vector<16xi32>,
      tpu.vector_store %arg10[%swap3A_56], %broadcast_in_dim3A_40 {strides = array<i32>} : memref<1568xi32, #tpu.memory_space<vmem>>, vector<16xi32>,
      %swap3A_58 = arith.constant 1440 : index
      %swap3A_59 = tpu.vector_load %arg8[%swap3A_58] {strides = array<i32>} : memref<1568xf32, #tpu.memory_space<vmem>>, vector<16xf32>,
      tpu.vector_store %arg8[%swap3A_58], %broadcast_in_dim3A_36 {strides = array<i32>} : memref<1568xf32, #tpu.memory_space<vmem>>, vector<16xf32>,
      %swap3A_60 = arith.constant 1440 : index
      %swap3A_61 = tpu.vector_load %arg9[%swap3A_60] {strides = array<i32>} : memref<1568xi32, #tpu.memory_space<vmem>>, vector<16xi32>,
      tpu.vector_store %arg9[%swap3A_60], %broadcast_in_dim3A_38 {strides = array<i32>} : memref<1568xi32, #tpu.memory_space<vmem>>, vector<16xi32>,
      %swap3A_62 = arith.constant 1440 : index
      %swap3A_63 = tpu.vector_load %arg10[%swap3A_62] {strides = array<i32>} : memref<1568xi32, #tpu.memory_space<vmem>>, vector<16xi32>,
      tpu.vector_store %arg10[%swap3A_62], %broadcast_in_dim3A_40 {strides = array<i32>} : memref<1568xi32, #tpu.memory_space<vmem>>, vector<16xi32>,
      %swap3A_64 = arith.constant 1456 : index
      %swap3A_65 = tpu.vector_load %arg8[%swap3A_64] {strides = array<i32>} : memref<1568xf32, #tpu.memory_space<vmem>>, vector<16xf32>,
      tpu.vector_store %arg8[%swap3A_64], %broadcast_in_dim3A_36 {strides = array<i32>} : memref<1568xf32, #tpu.memory_space<vmem>>, vector<16xf32>,
      %swap3A_66 = arith.constant 1456 : index
      %swap3A_67 = tpu.vector_load %arg9[%swap3A_66] {strides = array<i32>} : memref<1568xi32, #tpu.memory_space<vmem>>, vector<16xi32>,
      tpu.vector_store %arg9[%swap3A_66], %broadcast_in_dim3A_38 {strides = array<i32>} : memref<1568xi32, #tpu.memory_space<vmem>>, vector<16xi32>,
      %swap3A_68 = arith.constant 1456 : index
      %swap3A_69 = tpu.vector_load %arg10[%swap3A_68] {strides = array<i32>} : memref<1568xi32, #tpu.memory_space<vmem>>, vector<16xi32>,
      tpu.vector_store %arg10[%swap3A_68], %broadcast_in_dim3A_40 {strides = array<i32>} : memref<1568xi32, #tpu.memory_space<vmem>>, vector<16xi32>,
      %swap3A_70 = arith.constant 1472 : index
      %swap3A_71 = tpu.vector_load %arg8[%swap3A_70] {strides = array<i32>} : memref<1568xf32, #tpu.memory_space<vmem>>, vector<16xf32>,
      tpu.vector_store %arg8[%swap3A_70], %broadcast_in_dim3A_36 {strides = array<i32>} : memref<1568xf32, #tpu.memory_space<vmem>>, vector<16xf32>,
      %swap3A_72 = arith.constant 1472 : index
      %swap3A_73 = tpu.vector_load %arg9[%swap3A_72] {strides = array<i32>} : memref<1568xi32, #tpu.memory_space<vmem>>, vector<16xi32>,
      tpu.vector_store %arg9[%swap3A_72], %broadcast_in_dim3A_38 {strides = array<i32>} : memref<1568xi32, #tpu.memory_space<vmem>>, vector<16xi32>,
      %swap3A_74 = arith.constant 1472 : index
      %swap3A_75 = tpu.vector_load %arg10[%swap3A_74] {strides = array<i32>} : memref<1568xi32, #tpu.memory_space<vmem>>, vector<16xi32>,
      tpu.vector_store %arg10[%swap3A_74], %broadcast_in_dim3A_40 {strides = array<i32>} : memref<1568xi32, #tpu.memory_space<vmem>>, vector<16xi32>,
      %swap3A_76 = arith.constant 1488 : index
      %swap3A_77 = tpu.vector_load %arg8[%swap3A_76] {strides = array<i32>} : memref<1568xf32, #tpu.memory_space<vmem>>, vector<16xf32>,
      tpu.vector_store %arg8[%swap3A_76], %broadcast_in_dim3A_36 {strides = array<i32>} : memref<1568xf32, #tpu.memory_space<vmem>>, vector<16xf32>,
      %swap3A_78 = arith.constant 1488 : index
      %swap3A_79 = tpu.vector_load %arg9[%swap3A_78] {strides = array<i32>} : memref<1568xi32, #tpu.memory_space<vmem>>, vector<16xi32>,
      tpu.vector_store %arg9[%swap3A_78], %broadcast_in_dim3A_38 {strides = array<i32>} : memref<1568xi32, #tpu.memory_space<vmem>>, vector<16xi32>,
      %swap3A_80 = arith.constant 1488 : index
      %swap3A_81 = tpu.vector_load %arg10[%swap3A_80] {strides = array<i32>} : memref<1568xi32, #tpu.memory_space<vmem>>, vector<16xi32>,
      tpu.vector_store %arg10[%swap3A_80], %broadcast_in_dim3A_40 {strides = array<i32>} : memref<1568xi32, #tpu.memory_space<vmem>>, vector<16xi32>,
      %swap3A_82 = arith.constant 1504 : index
      %swap3A_83 = tpu.vector_load %arg8[%swap3A_82] {strides = array<i32>} : memref<1568xf32, #tpu.memory_space<vmem>>, vector<16xf32>,
      tpu.vector_store %arg8[%swap3A_82], %broadcast_in_dim3A_36 {strides = array<i32>} : memref<1568xf32, #tpu.memory_space<vmem>>, vector<16xf32>,
      %swap3A_84 = arith.constant 1504 : index
      %swap3A_85 = tpu.vector_load %arg9[%swap3A_84] {strides = array<i32>} : memref<1568xi32, #tpu.memory_space<vmem>>, vector<16xi32>,
      tpu.vector_store %arg9[%swap3A_84], %broadcast_in_dim3A_38 {strides = array<i32>} : memref<1568xi32, #tpu.memory_space<vmem>>, vector<16xi32>,
      %swap3A_86 = arith.constant 1504 : index
      %swap3A_87 = tpu.vector_load %arg10[%swap3A_86] {strides = array<i32>} : memref<1568xi32, #tpu.memory_space<vmem>>, vector<16xi32>,
      tpu.vector_store %arg10[%swap3A_86], %broadcast_in_dim3A_40 {strides = array<i32>} : memref<1568xi32, #tpu.memory_space<vmem>>, vector<16xi32>,
      %swap3A_88 = arith.constant 1520 : index
      %swap3A_89 = tpu.vector_load %arg8[%swap3A_88] {strides = array<i32>} : memref<1568xf32, #tpu.memory_space<vmem>>, vector<16xf32>,
      tpu.vector_store %arg8[%swap3A_88], %broadcast_in_dim3A_36 {strides = array<i32>} : memref<1568xf32, #tpu.memory_space<vmem>>, vector<16xf32>,
      %swap3A_90 = arith.constant 1520 : index
      %swap3A_91 = tpu.vector_load %arg9[%swap3A_90] {strides = array<i32>} : memref<1568xi32, #tpu.memory_space<vmem>>, vector<16xi32>,
      tpu.vector_store %arg9[%swap3A_90], %broadcast_in_dim3A_38 {strides = array<i32>} : memref<1568xi32, #tpu.memory_space<vmem>>, vector<16xi32>,
      %swap3A_92 = arith.constant 1520 : index
      %swap3A_93 = tpu.vector_load %arg10[%swap3A_92] {strides = array<i32>} : memref<1568xi32, #tpu.memory_space<vmem>>, vector<16xi32>,
      tpu.vector_store %arg10[%swap3A_92], %broadcast_in_dim3A_40 {strides = array<i32>} : memref<1568xi32, #tpu.memory_space<vmem>>, vector<16xi32>,
      %swap3A_94 = arith.constant 1536 : index
      %swap3A_95 = tpu.vector_load %arg8[%swap3A_94] {strides = array<i32>} : memref<1568xf32, #tpu.memory_space<vmem>>, vector<16xf32>,
      tpu.vector_store %arg8[%swap3A_94], %broadcast_in_dim3A_36 {strides = array<i32>} : memref<1568xf32, #tpu.memory_space<vmem>>, vector<16xf32>,
      %swap3A_96 = arith.constant 1536 : index
      %swap3A_97 = tpu.vector_load %arg9[%swap3A_96] {strides = array<i32>} : memref<1568xi32, #tpu.memory_space<vmem>>, vector<16xi32>,
      tpu.vector_store %arg9[%swap3A_96], %broadcast_in_dim3A_38 {strides = array<i32>} : memref<1568xi32, #tpu.memory_space<vmem>>, vector<16xi32>,
      %swap3A_98 = arith.constant 1536 : index
      %swap3A_99 = tpu.vector_load %arg10[%swap3A_98] {strides = array<i32>} : memref<1568xi32, #tpu.memory_space<vmem>>, vector<16xi32>,
      tpu.vector_store %arg10[%swap3A_98], %broadcast_in_dim3A_40 {strides = array<i32>} : memref<1568xi32, #tpu.memory_space<vmem>>, vector<16xi32>,
      %swap3A_100 = arith.constant 1552 : index
      %swap3A_101 = tpu.vector_load %arg8[%swap3A_100] {strides = array<i32>} : memref<1568xf32, #tpu.memory_space<vmem>>, vector<16xf32>,
      tpu.vector_store %arg8[%swap3A_100], %broadcast_in_dim3A_36 {strides = array<i32>} : memref<1568xf32, #tpu.memory_space<vmem>>, vector<16xf32>,
      %swap3A_102 = arith.constant 1552 : index
      %swap3A_103 = tpu.vector_load %arg9[%swap3A_102] {strides = array<i32>} : memref<1568xi32, #tpu.memory_space<vmem>>, vector<16xi32>,
      tpu.vector_store %arg9[%swap3A_102], %broadcast_in_dim3A_38 {strides = array<i32>} : memref<1568xi32, #tpu.memory_space<vmem>>, vector<16xi32>,
      %swap3A_104 = arith.constant 1552 : index
      %swap3A_105 = tpu.vector_load %arg10[%swap3A_104] {strides = array<i32>} : memref<1568xi32, #tpu.memory_space<vmem>>, vector<16xi32>,
      tpu.vector_store %arg10[%swap3A_104], %broadcast_in_dim3A_40 {strides = array<i32>} : memref<1568xi32, #tpu.memory_space<vmem>>, vector<16xi32>,
    } else {
    }
    "tpu.region"() ({
      %run_scoped3A = tpu.sem_alloc : memref<!tpu.dma_semaphore, #tpu.memory_space<semaphore_mem>>
      %dma_start3A = arith.constant 0 : i32
      %dma_start3A_35 = tpu.memref_slice %arg11[%dma_start3A] : memref<112xf32, #tpu.memory_space<vmem>> -> memref<100xf32, #tpu.memory_space<vmem>>
      %dma_start3A_36 = arith.constant 0 : i32
      %dma_start3A_37 = tpu.memref_slice %arg11[%dma_start3A_36] : memref<112xf32, #tpu.memory_space<vmem>> -> memref<100xf32, #tpu.memory_space<vmem>>
      tpu.enqueue_dma source(%arg5 : memref<100xf32, #tpu.memory_space<hbm>>) target(%dma_start3A_37 : memref<100xf32, #tpu.memory_space<vmem>>) target_semaphore(%run_scoped3A : memref<!tpu.dma_semaphore, #tpu.memory_space<semaphore_mem>>)
      %dma_wait3A = arith.constant 0 : i32
      %dma_wait3A_38 = tpu.memref_slice %arg11[%dma_wait3A] : memref<112xf32, #tpu.memory_space<vmem>> -> memref<100xf32, #tpu.memory_space<vmem>>
      %dma_wait3A_39 = arith.constant 0 : i32
      %dma_wait3A_40 = tpu.memref_slice %arg11[%dma_wait3A_39] : memref<112xf32, #tpu.memory_space<vmem>> -> memref<100xf32, #tpu.memory_space<vmem>>
      tpu.wait_dma2 semaphore(%run_scoped3A : memref<!tpu.dma_semaphore, #tpu.memory_space<semaphore_mem>>) src(%arg5 : memref<100xf32, #tpu.memory_space<hbm>>) dst(%dma_wait3A_40 : memref<100xf32, #tpu.memory_space<vmem>>)
      tpu.yield
    }) : () -> ()
    "tpu.region"() ({
      %run_scoped3A = tpu.sem_alloc : memref<!tpu.dma_semaphore, #tpu.memory_space<semaphore_mem>>
      %dma_start3A = arith.constant 0 : i32
      %dma_start3A_35 = tpu.memref_slice %arg12[%dma_start3A] : memref<112xf32, #tpu.memory_space<vmem>> -> memref<100xf32, #tpu.memory_space<vmem>>
      %dma_start3A_36 = arith.constant 0 : i32
      %dma_start3A_37 = tpu.memref_slice %arg12[%dma_start3A_36] : memref<112xf32, #tpu.memory_space<vmem>> -> memref<100xf32, #tpu.memory_space<vmem>>
      tpu.enqueue_dma source(%arg6 : memref<100xf32, #tpu.memory_space<hbm>>) target(%dma_start3A_37 : memref<100xf32, #tpu.memory_space<vmem>>) target_semaphore(%run_scoped3A : memref<!tpu.dma_semaphore, #tpu.memory_space<semaphore_mem>>)
      %dma_wait3A = arith.constant 0 : i32
      %dma_wait3A_38 = tpu.memref_slice %arg12[%dma_wait3A] : memref<112xf32, #tpu.memory_space<vmem>> -> memref<100xf32, #tpu.memory_space<vmem>>
      %dma_wait3A_39 = arith.constant 0 : i32
      %dma_wait3A_40 = tpu.memref_slice %arg12[%dma_wait3A_39] : memref<112xf32, #tpu.memory_space<vmem>> -> memref<100xf32, #tpu.memory_space<vmem>>
      tpu.wait_dma2 semaphore(%run_scoped3A : memref<!tpu.dma_semaphore, #tpu.memory_space<semaphore_mem>>) src(%arg6 : memref<100xf32, #tpu.memory_space<hbm>>) dst(%dma_wait3A_40 : memref<100xf32, #tpu.memory_space<vmem>>)
      tpu.yield
    }) : () -> ()
    %broadcast_in_dim3A = arith.constant 0.000000e+00 : f32
    %broadcast_in_dim3A_9 = vector.broadcast %broadcast_in_dim3A : f32 to vector<16xf32>
    %iota3A = tpu.iota {dimensions = array<i32: 0>} : vector<16xi32>
    %mul3A_10 = arith.constant 528 : i32
    %mul3A_11 = vector.broadcast %mul3A_10 : i32 to vector<16xi32>
    %mul3A_12 = arith.muli %iota3A, %mul3A_11 : vector<16xi32>
    %scan3A = arith.constant 0 : i32
    %scan3A_13 = arith.constant 0 : i32
    %scan3A_14 = arith.constant 66 : i32
    %scan3A_15 = arith.addi %scan3A_13, %scan3A_14 : i32
    %scan3A_16 = arith.constant 1 : i32
    scf.for %scan3A_35 = %scan3A_13 to %scan3A_15 step %scan3A_16  : i32 {
      %mul3A_36 = arith.constant 128 : i32
      %mul3A_37 = arith.muli %scan3A_35, %mul3A_36 : i32
      %add3A_38 = arith.constant 0 : i32
      %add3A_39 = arith.addi %mul3A_37, %add3A_38 : i32
      %swap3A = arith.index_cast %add3A_39 : i32 to index
      %swap3A_40 = tpu.vector_load %arg13[%swap3A] {strides = array<i32>} : memref<8448xf32, #tpu.memory_space<vmem>>, vector<16xf32>,
      tpu.vector_store %arg13[%swap3A], %broadcast_in_dim3A_9 {strides = array<i32>} : memref<8448xf32, #tpu.memory_space<vmem>>, vector<16xf32>,
      %add3A_41 = arith.constant 16 : i32
      %add3A_42 = arith.addi %mul3A_37, %add3A_41 : i32
      %swap3A_43 = arith.index_cast %add3A_42 : i32 to index
      %swap3A_44 = tpu.vector_load %arg13[%swap3A_43] {strides = array<i32>} : memref<8448xf32, #tpu.memory_space<vmem>>, vector<16xf32>,
      tpu.vector_store %arg13[%swap3A_43], %broadcast_in_dim3A_9 {strides = array<i32>} : memref<8448xf32, #tpu.memory_space<vmem>>, vector<16xf32>,
      %add3A_45 = arith.constant 32 : i32
      %add3A_46 = arith.addi %mul3A_37, %add3A_45 : i32
      %swap3A_47 = arith.index_cast %add3A_46 : i32 to index
      %swap3A_48 = tpu.vector_load %arg13[%swap3A_47] {strides = array<i32>} : memref<8448xf32, #tpu.memory_space<vmem>>, vector<16xf32>,
      tpu.vector_store %arg13[%swap3A_47], %broadcast_in_dim3A_9 {strides = array<i32>} : memref<8448xf32, #tpu.memory_space<vmem>>, vector<16xf32>,
      %add3A_49 = arith.constant 48 : i32
      %add3A_50 = arith.addi %mul3A_37, %add3A_49 : i32
      %swap3A_51 = arith.index_cast %add3A_50 : i32 to index
      %swap3A_52 = tpu.vector_load %arg13[%swap3A_51] {strides = array<i32>} : memref<8448xf32, #tpu.memory_space<vmem>>, vector<16xf32>,
      tpu.vector_store %arg13[%swap3A_51], %broadcast_in_dim3A_9 {strides = array<i32>} : memref<8448xf32, #tpu.memory_space<vmem>>, vector<16xf32>,
      %add3A_53 = arith.constant 64 : i32
      %add3A_54 = arith.addi %mul3A_37, %add3A_53 : i32
      %swap3A_55 = arith.index_cast %add3A_54 : i32 to index
      %swap3A_56 = tpu.vector_load %arg13[%swap3A_55] {strides = array<i32>} : memref<8448xf32, #tpu.memory_space<vmem>>, vector<16xf32>,
      tpu.vector_store %arg13[%swap3A_55], %broadcast_in_dim3A_9 {strides = array<i32>} : memref<8448xf32, #tpu.memory_space<vmem>>, vector<16xf32>,
      %add3A_57 = arith.constant 80 : i32
      %add3A_58 = arith.addi %mul3A_37, %add3A_57 : i32
      %swap3A_59 = arith.index_cast %add3A_58 : i32 to index
      %swap3A_60 = tpu.vector_load %arg13[%swap3A_59] {strides = array<i32>} : memref<8448xf32, #tpu.memory_space<vmem>>, vector<16xf32>,
      tpu.vector_store %arg13[%swap3A_59], %broadcast_in_dim3A_9 {strides = array<i32>} : memref<8448xf32, #tpu.memory_space<vmem>>, vector<16xf32>,
      %add3A_61 = arith.constant 96 : i32
      %add3A_62 = arith.addi %mul3A_37, %add3A_61 : i32
      %swap3A_63 = arith.index_cast %add3A_62 : i32 to index
      %swap3A_64 = tpu.vector_load %arg13[%swap3A_63] {strides = array<i32>} : memref<8448xf32, #tpu.memory_space<vmem>>, vector<16xf32>,
      tpu.vector_store %arg13[%swap3A_63], %broadcast_in_dim3A_9 {strides = array<i32>} : memref<8448xf32, #tpu.memory_space<vmem>>, vector<16xf32>,
      %add3A_65 = arith.constant 112 : i32
      %add3A_66 = arith.addi %mul3A_37, %add3A_65 : i32
      %swap3A_67 = arith.index_cast %add3A_66 : i32 to index
      %swap3A_68 = tpu.vector_load %arg13[%swap3A_67] {strides = array<i32>} : memref<8448xf32, #tpu.memory_space<vmem>>, vector<16xf32>,
      tpu.vector_store %arg13[%swap3A_67], %broadcast_in_dim3A_9 {strides = array<i32>} : memref<8448xf32, #tpu.memory_space<vmem>>, vector<16xf32>,
    }
    %scan3A_17 = arith.constant 66 : i32
    %scan3A_18 = arith.constant 0 : i32
    %scan3A_19 = arith.constant 0 : i32
    %scan3A_20 = arith.constant 14 : i32
    %scan3A_21 = arith.addi %scan3A_19, %scan3A_20 : i32
    %scan3A_22 = arith.constant 1 : i32
    scf.for %scan3A_35 = %scan3A_19 to %scan3A_21 step %scan3A_22  : i32 {
      %mul3A_36 = arith.constant 7 : i32
      %mul3A_37 = arith.muli %scan3A_35, %mul3A_36 : i32
      %add3A_38 = arith.constant 0 : i32
      %add3A_39 = arith.addi %mul3A_37, %add3A_38 : i32
      %mul3A_40 = arith.constant 16 : i32
      %mul3A_41 = arith.muli %add3A_39, %mul3A_40 : i32
      %get3A = arith.index_cast %mul3A_41 : i32 to index
      %get3A_42 = tpu.vector_load %arg8[%get3A] {strides = array<i32>} : memref<1568xf32, #tpu.memory_space<vmem>>, vector<16xf32>,
      %get3A_43 = arith.index_cast %mul3A_41 : i32 to index
      %get3A_44 = tpu.vector_load %arg9[%get3A_43] {strides = array<i32>} : memref<1568xi32, #tpu.memory_space<vmem>>, vector<16xi32>,
      %get3A_45 = arith.index_cast %mul3A_41 : i32 to index
      %get3A_46 = tpu.vector_load %arg10[%get3A_45] {strides = array<i32>} : memref<1568xi32, #tpu.memory_space<vmem>>, vector<16xi32>,
      %gather3A = tpu.vector_load_idx %arg11[%get3A_44] : memref<112xf32, #tpu.memory_space<vmem>>[vector<16xi32>], vector<16xf32>,
      %gather3A_47 = tpu.vector_load_idx %arg12[%get3A_44] : memref<112xf32, #tpu.memory_space<vmem>>[vector<16xi32>], vector<16xf32>,
      %add3A_48 = arith.addi %mul3A_12, %get3A_46 : vector<16xi32>
      %mul3A_49 = arith.mulf %get3A_42, %gather3A : vector<16xf32>
      %add3A_50 = arith.addf %mul3A_49, %gather3A_47 : vector<16xf32>
      tpu.vector_store_idx %arg13[%add3A_48], %add3A_50 {add = true} : memref<8448xf32, #tpu.memory_space<vmem>>[vector<16xi32>], vector<16xf32>,
      %mul3A_51 = arith.constant 7 : i32
      %mul3A_52 = arith.muli %scan3A_35, %mul3A_51 : i32
      %add3A_53 = arith.constant 1 : i32
      %add3A_54 = arith.addi %mul3A_52, %add3A_53 : i32
      %mul3A_55 = arith.constant 16 : i32
      %mul3A_56 = arith.muli %add3A_54, %mul3A_55 : i32
      %get3A_57 = arith.index_cast %mul3A_56 : i32 to index
      %get3A_58 = tpu.vector_load %arg8[%get3A_57] {strides = array<i32>} : memref<1568xf32, #tpu.memory_space<vmem>>, vector<16xf32>,
      %get3A_59 = arith.index_cast %mul3A_56 : i32 to index
      %get3A_60 = tpu.vector_load %arg9[%get3A_59] {strides = array<i32>} : memref<1568xi32, #tpu.memory_space<vmem>>, vector<16xi32>,
      %get3A_61 = arith.index_cast %mul3A_56 : i32 to index
      %get3A_62 = tpu.vector_load %arg10[%get3A_61] {strides = array<i32>} : memref<1568xi32, #tpu.memory_space<vmem>>, vector<16xi32>,
      %gather3A_63 = tpu.vector_load_idx %arg11[%get3A_60] : memref<112xf32, #tpu.memory_space<vmem>>[vector<16xi32>], vector<16xf32>,
      %gather3A_64 = tpu.vector_load_idx %arg12[%get3A_60] : memref<112xf32, #tpu.memory_space<vmem>>[vector<16xi32>], vector<16xf32>,
      %add3A_65 = arith.addi %mul3A_12, %get3A_62 : vector<16xi32>
      %mul3A_66 = arith.mulf %get3A_58, %gather3A_63 : vector<16xf32>
      %add3A_67 = arith.addf %mul3A_66, %gather3A_64 : vector<16xf32>
      tpu.vector_store_idx %arg13[%add3A_65], %add3A_67 {add = true} : memref<8448xf32, #tpu.memory_space<vmem>>[vector<16xi32>], vector<16xf32>,
      %mul3A_68 = arith.constant 7 : i32
      %mul3A_69 = arith.muli %scan3A_35, %mul3A_68 : i32
      %add3A_70 = arith.constant 2 : i32
      %add3A_71 = arith.addi %mul3A_69, %add3A_70 : i32
      %mul3A_72 = arith.constant 16 : i32
      %mul3A_73 = arith.muli %add3A_71, %mul3A_72 : i32
      %get3A_74 = arith.index_cast %mul3A_73 : i32 to index
      %get3A_75 = tpu.vector_load %arg8[%get3A_74] {strides = array<i32>} : memref<1568xf32, #tpu.memory_space<vmem>>, vector<16xf32>,
      %get3A_76 = arith.index_cast %mul3A_73 : i32 to index
      %get3A_77 = tpu.vector_load %arg9[%get3A_76] {strides = array<i32>} : memref<1568xi32, #tpu.memory_space<vmem>>, vector<16xi32>,
      %get3A_78 = arith.index_cast %mul3A_73 : i32 to index
      %get3A_79 = tpu.vector_load %arg10[%get3A_78] {strides = array<i32>} : memref<1568xi32, #tpu.memory_space<vmem>>, vector<16xi32>,
      %gather3A_80 = tpu.vector_load_idx %arg11[%get3A_77] : memref<112xf32, #tpu.memory_space<vmem>>[vector<16xi32>], vector<16xf32>,
      %gather3A_81 = tpu.vector_load_idx %arg12[%get3A_77] : memref<112xf32, #tpu.memory_space<vmem>>[vector<16xi32>], vector<16xf32>,
      %add3A_82 = arith.addi %mul3A_12, %get3A_79 : vector<16xi32>
      %mul3A_83 = arith.mulf %get3A_75, %gather3A_80 : vector<16xf32>
      %add3A_84 = arith.addf %mul3A_83, %gather3A_81 : vector<16xf32>
      tpu.vector_store_idx %arg13[%add3A_82], %add3A_84 {add = true} : memref<8448xf32, #tpu.memory_space<vmem>>[vector<16xi32>], vector<16xf32>,
      %mul3A_85 = arith.constant 7 : i32
      %mul3A_86 = arith.muli %scan3A_35, %mul3A_85 : i32
      %add3A_87 = arith.constant 3 : i32
      %add3A_88 = arith.addi %mul3A_86, %add3A_87 : i32
      %mul3A_89 = arith.constant 16 : i32
      %mul3A_90 = arith.muli %add3A_88, %mul3A_89 : i32
      %get3A_91 = arith.index_cast %mul3A_90 : i32 to index
      %get3A_92 = tpu.vector_load %arg8[%get3A_91] {strides = array<i32>} : memref<1568xf32, #tpu.memory_space<vmem>>, vector<16xf32>,
      %get3A_93 = arith.index_cast %mul3A_90 : i32 to index
      %get3A_94 = tpu.vector_load %arg9[%get3A_93] {strides = array<i32>} : memref<1568xi32, #tpu.memory_space<vmem>>, vector<16xi32>,
      %get3A_95 = arith.index_cast %mul3A_90 : i32 to index
      %get3A_96 = tpu.vector_load %arg10[%get3A_95] {strides = array<i32>} : memref<1568xi32, #tpu.memory_space<vmem>>, vector<16xi32>,
      %gather3A_97 = tpu.vector_load_idx %arg11[%get3A_94] : memref<112xf32, #tpu.memory_space<vmem>>[vector<16xi32>], vector<16xf32>,
      %gather3A_98 = tpu.vector_load_idx %arg12[%get3A_94] : memref<112xf32, #tpu.memory_space<vmem>>[vector<16xi32>], vector<16xf32>,
      %add3A_99 = arith.addi %mul3A_12, %get3A_96 : vector<16xi32>
      %mul3A_100 = arith.mulf %get3A_92, %gather3A_97 : vector<16xf32>
      %add3A_101 = arith.addf %mul3A_100, %gather3A_98 : vector<16xf32>
      tpu.vector_store_idx %arg13[%add3A_99], %add3A_101 {add = true} : memref<8448xf32, #tpu.memory_space<vmem>>[vector<16xi32>], vector<16xf32>,
      %mul3A_102 = arith.constant 7 : i32
      %mul3A_103 = arith.muli %scan3A_35, %mul3A_102 : i32
      %add3A_104 = arith.constant 4 : i32
      %add3A_105 = arith.addi %mul3A_103, %add3A_104 : i32
      %mul3A_106 = arith.constant 16 : i32
      %mul3A_107 = arith.muli %add3A_105, %mul3A_106 : i32
      %get3A_108 = arith.index_cast %mul3A_107 : i32 to index
      %get3A_109 = tpu.vector_load %arg8[%get3A_108] {strides = array<i32>} : memref<1568xf32, #tpu.memory_space<vmem>>, vector<16xf32>,
      %get3A_110 = arith.index_cast %mul3A_107 : i32 to index
      %get3A_111 = tpu.vector_load %arg9[%get3A_110] {strides = array<i32>} : memref<1568xi32, #tpu.memory_space<vmem>>, vector<16xi32>,
      %get3A_112 = arith.index_cast %mul3A_107 : i32 to index
      %get3A_113 = tpu.vector_load %arg10[%get3A_112] {strides = array<i32>} : memref<1568xi32, #tpu.memory_space<vmem>>, vector<16xi32>,
      %gather3A_114 = tpu.vector_load_idx %arg11[%get3A_111] : memref<112xf32, #tpu.memory_space<vmem>>[vector<16xi32>], vector<16xf32>,
      %gather3A_115 = tpu.vector_load_idx %arg12[%get3A_111] : memref<112xf32, #tpu.memory_space<vmem>>[vector<16xi32>], vector<16xf32>,
      %add3A_116 = arith.addi %mul3A_12, %get3A_113 : vector<16xi32>
      %mul3A_117 = arith.mulf %get3A_109, %gather3A_114 : vector<16xf32>
      %add3A_118 = arith.addf %mul3A_117, %gather3A_115 : vector<16xf32>
      tpu.vector_store_idx %arg13[%add3A_116], %add3A_118 {add = true} : memref<8448xf32, #tpu.memory_space<vmem>>[vector<16xi32>], vector<16xf32>,
      %mul3A_119 = arith.constant 7 : i32
      %mul3A_120 = arith.muli %scan3A_35, %mul3A_119 : i32
      %add3A_121 = arith.constant 5 : i32
      %add3A_122 = arith.addi %mul3A_120, %add3A_121 : i32
      %mul3A_123 = arith.constant 16 : i32
      %mul3A_124 = arith.muli %add3A_122, %mul3A_123 : i32
      %get3A_125 = arith.index_cast %mul3A_124 : i32 to index
      %get3A_126 = tpu.vector_load %arg8[%get3A_125] {strides = array<i32>} : memref<1568xf32, #tpu.memory_space<vmem>>, vector<16xf32>,
      %get3A_127 = arith.index_cast %mul3A_124 : i32 to index
      %get3A_128 = tpu.vector_load %arg9[%get3A_127] {strides = array<i32>} : memref<1568xi32, #tpu.memory_space<vmem>>, vector<16xi32>,
      %get3A_129 = arith.index_cast %mul3A_124 : i32 to index
      %get3A_130 = tpu.vector_load %arg10[%get3A_129] {strides = array<i32>} : memref<1568xi32, #tpu.memory_space<vmem>>, vector<16xi32>,
      %gather3A_131 = tpu.vector_load_idx %arg11[%get3A_128] : memref<112xf32, #tpu.memory_space<vmem>>[vector<16xi32>], vector<16xf32>,
      %gather3A_132 = tpu.vector_load_idx %arg12[%get3A_128] : memref<112xf32, #tpu.memory_space<vmem>>[vector<16xi32>], vector<16xf32>,
      %add3A_133 = arith.addi %mul3A_12, %get3A_130 : vector<16xi32>
      %mul3A_134 = arith.mulf %get3A_126, %gather3A_131 : vector<16xf32>
      %add3A_135 = arith.addf %mul3A_134, %gather3A_132 : vector<16xf32>
      tpu.vector_store_idx %arg13[%add3A_133], %add3A_135 {add = true} : memref<8448xf32, #tpu.memory_space<vmem>>[vector<16xi32>], vector<16xf32>,
      %mul3A_136 = arith.constant 7 : i32
      %mul3A_137 = arith.muli %scan3A_35, %mul3A_136 : i32
      %add3A_138 = arith.constant 6 : i32
      %add3A_139 = arith.addi %mul3A_137, %add3A_138 : i32
      %mul3A_140 = arith.constant 16 : i32
      %mul3A_141 = arith.muli %add3A_139, %mul3A_140 : i32
      %get3A_142 = arith.index_cast %mul3A_141 : i32 to index
      %get3A_143 = tpu.vector_load %arg8[%get3A_142] {strides = array<i32>} : memref<1568xf32, #tpu.memory_space<vmem>>, vector<16xf32>,
      %get3A_144 = arith.index_cast %mul3A_141 : i32 to index
      %get3A_145 = tpu.vector_load %arg9[%get3A_144] {strides = array<i32>} : memref<1568xi32, #tpu.memory_space<vmem>>, vector<16xi32>,
      %get3A_146 = arith.index_cast %mul3A_141 : i32 to index
      %get3A_147 = tpu.vector_load %arg10[%get3A_146] {strides = array<i32>} : memref<1568xi32, #tpu.memory_space<vmem>>, vector<16xi32>,
      %gather3A_148 = tpu.vector_load_idx %arg11[%get3A_145] : memref<112xf32, #tpu.memory_space<vmem>>[vector<16xi32>], vector<16xf32>,
      %gather3A_149 = tpu.vector_load_idx %arg12[%get3A_145] : memref<112xf32, #tpu.memory_space<vmem>>[vector<16xi32>], vector<16xf32>,
      %add3A_150 = arith.addi %mul3A_12, %get3A_147 : vector<16xi32>
      %mul3A_151 = arith.mulf %get3A_143, %gather3A_148 : vector<16xf32>
      %add3A_152 = arith.addf %mul3A_151, %gather3A_149 : vector<16xf32>
      tpu.vector_store_idx %arg13[%add3A_150], %add3A_152 {add = true} : memref<8448xf32, #tpu.memory_space<vmem>>[vector<16xi32>], vector<16xf32>,
    }
    %scan3A_23 = arith.constant 14 : i32
    %scan3A_24 = arith.constant 0 : i32
    %scan3A_25 = arith.constant 0 : i32
    %scan3A_26 = arith.constant 32 : i32
    %scan3A_27 = arith.addi %scan3A_25, %scan3A_26 : i32
    %scan3A_28 = arith.constant 1 : i32
    scf.for %scan3A_35 = %scan3A_25 to %scan3A_27 step %scan3A_28  : i32 {
      %mul3A_36 = arith.constant 16 : i32
      %mul3A_37 = arith.muli %scan3A_35, %mul3A_36 : i32
      %get3A = arith.index_cast %mul3A_37 : i32 to index
      %get3A_38 = tpu.vector_load %arg13[%get3A] {strides = array<i32>} : memref<8448xf32, #tpu.memory_space<vmem>>, vector<16xf32>,
      %add3A_39 = arith.constant 528 : i32
      %add3A_40 = arith.addi %add3A_39, %mul3A_37 : i32
      %get3A_41 = arith.index_cast %add3A_40 : i32 to index
      %get3A_42 = tpu.vector_load %arg13[%get3A_41] {strides = array<i32>} : memref<8448xf32, #tpu.memory_space<vmem>>, vector<16xf32>,
      %add3A_43 = arith.addf %get3A_38, %get3A_42 : vector<16xf32>
      %add3A_44 = arith.constant 1056 : i32
      %add3A_45 = arith.addi %add3A_44, %mul3A_37 : i32
      %get3A_46 = arith.index_cast %add3A_45 : i32 to index
      %get3A_47 = tpu.vector_load %arg13[%get3A_46] {strides = array<i32>} : memref<8448xf32, #tpu.memory_space<vmem>>, vector<16xf32>,
      %add3A_48 = arith.addf %add3A_43, %get3A_47 : vector<16xf32>
      %add3A_49 = arith.constant 1584 : i32
      %add3A_50 = arith.addi %add3A_49, %mul3A_37 : i32
      %get3A_51 = arith.index_cast %add3A_50 : i32 to index
      %get3A_52 = tpu.vector_load %arg13[%get3A_51] {strides = array<i32>} : memref<8448xf32, #tpu.memory_space<vmem>>, vector<16xf32>,
      %add3A_53 = arith.addf %add3A_48, %get3A_52 : vector<16xf32>
      %add3A_54 = arith.constant 2112 : i32
      %add3A_55 = arith.addi %add3A_54, %mul3A_37 : i32
      %get3A_56 = arith.index_cast %add3A_55 : i32 to index
      %get3A_57 = tpu.vector_load %arg13[%get3A_56] {strides = array<i32>} : memref<8448xf32, #tpu.memory_space<vmem>>, vector<16xf32>,
      %add3A_58 = arith.addf %add3A_53, %get3A_57 : vector<16xf32>
      %add3A_59 = arith.constant 2640 : i32
      %add3A_60 = arith.addi %add3A_59, %mul3A_37 : i32
      %get3A_61 = arith.index_cast %add3A_60 : i32 to index
      %get3A_62 = tpu.vector_load %arg13[%get3A_61] {strides = array<i32>} : memref<8448xf32, #tpu.memory_space<vmem>>, vector<16xf32>,
      %add3A_63 = arith.addf %add3A_58, %get3A_62 : vector<16xf32>
      %add3A_64 = arith.constant 3168 : i32
      %add3A_65 = arith.addi %add3A_64, %mul3A_37 : i32
      %get3A_66 = arith.index_cast %add3A_65 : i32 to index
      %get3A_67 = tpu.vector_load %arg13[%get3A_66] {strides = array<i32>} : memref<8448xf32, #tpu.memory_space<vmem>>, vector<16xf32>,
      %add3A_68 = arith.addf %add3A_63, %get3A_67 : vector<16xf32>
      %add3A_69 = arith.constant 3696 : i32
      %add3A_70 = arith.addi %add3A_69, %mul3A_37 : i32
      %get3A_71 = arith.index_cast %add3A_70 : i32 to index
      %get3A_72 = tpu.vector_load %arg13[%get3A_71] {strides = array<i32>} : memref<8448xf32, #tpu.memory_space<vmem>>, vector<16xf32>,
      %add3A_73 = arith.addf %add3A_68, %get3A_72 : vector<16xf32>
      %add3A_74 = arith.constant 4224 : i32
      %add3A_75 = arith.addi %add3A_74, %mul3A_37 : i32
      %get3A_76 = arith.index_cast %add3A_75 : i32 to index
      %get3A_77 = tpu.vector_load %arg13[%get3A_76] {strides = array<i32>} : memref<8448xf32, #tpu.memory_space<vmem>>, vector<16xf32>,
      %add3A_78 = arith.addf %add3A_73, %get3A_77 : vector<16xf32>
      %add3A_79 = arith.constant 4752 : i32
      %add3A_80 = arith.addi %add3A_79, %mul3A_37 : i32
      %get3A_81 = arith.index_cast %add3A_80 : i32 to index
      %get3A_82 = tpu.vector_load %arg13[%get3A_81] {strides = array<i32>} : memref<8448xf32, #tpu.memory_space<vmem>>, vector<16xf32>,
      %add3A_83 = arith.addf %add3A_78, %get3A_82 : vector<16xf32>
      %add3A_84 = arith.constant 5280 : i32
      %add3A_85 = arith.addi %add3A_84, %mul3A_37 : i32
      %get3A_86 = arith.index_cast %add3A_85 : i32 to index
      %get3A_87 = tpu.vector_load %arg13[%get3A_86] {strides = array<i32>} : memref<8448xf32, #tpu.memory_space<vmem>>, vector<16xf32>,
      %add3A_88 = arith.addf %add3A_83, %get3A_87 : vector<16xf32>
      %add3A_89 = arith.constant 5808 : i32
      %add3A_90 = arith.addi %add3A_89, %mul3A_37 : i32
      %get3A_91 = arith.index_cast %add3A_90 : i32 to index
      %get3A_92 = tpu.vector_load %arg13[%get3A_91] {strides = array<i32>} : memref<8448xf32, #tpu.memory_space<vmem>>, vector<16xf32>,
      %add3A_93 = arith.addf %add3A_88, %get3A_92 : vector<16xf32>
      %add3A_94 = arith.constant 6336 : i32
      %add3A_95 = arith.addi %add3A_94, %mul3A_37 : i32
      %get3A_96 = arith.index_cast %add3A_95 : i32 to index
      %get3A_97 = tpu.vector_load %arg13[%get3A_96] {strides = array<i32>} : memref<8448xf32, #tpu.memory_space<vmem>>, vector<16xf32>,
      %add3A_98 = arith.addf %add3A_93, %get3A_97 : vector<16xf32>
      %add3A_99 = arith.constant 6864 : i32
      %add3A_100 = arith.addi %add3A_99, %mul3A_37 : i32
      %get3A_101 = arith.index_cast %add3A_100 : i32 to index
      %get3A_102 = tpu.vector_load %arg13[%get3A_101] {strides = array<i32>} : memref<8448xf32, #tpu.memory_space<vmem>>, vector<16xf32>,
      %add3A_103 = arith.addf %add3A_98, %get3A_102 : vector<16xf32>
      %add3A_104 = arith.constant 7392 : i32
      %add3A_105 = arith.addi %add3A_104, %mul3A_37 : i32
      %get3A_106 = arith.index_cast %add3A_105 : i32 to index
      %get3A_107 = tpu.vector_load %arg13[%get3A_106] {strides = array<i32>} : memref<8448xf32, #tpu.memory_space<vmem>>, vector<16xf32>,
      %add3A_108 = arith.addf %add3A_103, %get3A_107 : vector<16xf32>
      %add3A_109 = arith.constant 7920 : i32
      %add3A_110 = arith.addi %add3A_109, %mul3A_37 : i32
      %get3A_111 = arith.index_cast %add3A_110 : i32 to index
      %get3A_112 = tpu.vector_load %arg13[%get3A_111] {strides = array<i32>} : memref<8448xf32, #tpu.memory_space<vmem>>, vector<16xf32>,
      %add3A_113 = arith.addf %add3A_108, %get3A_112 : vector<16xf32>
      %swap3A = arith.index_cast %mul3A_37 : i32 to index
      %swap3A_114 = tpu.vector_load %arg14[%swap3A] {strides = array<i32>} : memref<512xf32, #tpu.memory_space<vmem>>, vector<16xf32>,
      tpu.vector_store %arg14[%swap3A], %add3A_113 {strides = array<i32>} : memref<512xf32, #tpu.memory_space<vmem>>, vector<16xf32>,
    }
    %scan3A_29 = arith.constant 32 : i32
    "tpu.region"() ({
      %run_scoped3A = tpu.sem_alloc : memref<!tpu.dma_semaphore, #tpu.memory_space<semaphore_mem>>
      %dma_start3A = arith.constant 0 : i32
      %dma_start3A_35 = tpu.memref_slice %arg16[%arg1, %dma_start3A] : memref<16x512xf32, #tpu.memory_space<vmem_shared>> -> memref<1x512xf32, #tpu.memory_space<vmem_shared>>
      %dma_start3A_36 = tpu.memref_squeeze %dma_start3A_35 : memref<1x512xf32, #tpu.memory_space<vmem_shared>> -> memref<512xf32, #tpu.memory_space<vmem_shared>>
      %dma_start3A_37 = arith.constant 0 : i32
      %dma_start3A_38 = tpu.memref_slice %arg16[%arg1, %dma_start3A_37] : memref<16x512xf32, #tpu.memory_space<vmem_shared>> -> memref<1x512xf32, #tpu.memory_space<vmem_shared>>
      %dma_start3A_39 = tpu.memref_squeeze %dma_start3A_38 : memref<1x512xf32, #tpu.memory_space<vmem_shared>> -> memref<512xf32, #tpu.memory_space<vmem_shared>>
      tpu.enqueue_dma source(%arg14 : memref<512xf32, #tpu.memory_space<vmem>>) target(%dma_start3A_39 : memref<512xf32, #tpu.memory_space<vmem_shared>>) target_semaphore(%run_scoped3A : memref<!tpu.dma_semaphore, #tpu.memory_space<semaphore_mem>>)
      %dma_wait3A = arith.constant 0 : i32
      %dma_wait3A_40 = tpu.memref_slice %arg16[%arg1, %dma_wait3A] : memref<16x512xf32, #tpu.memory_space<vmem_shared>> -> memref<1x512xf32, #tpu.memory_space<vmem_shared>>
      %dma_wait3A_41 = tpu.memref_squeeze %dma_wait3A_40 : memref<1x512xf32, #tpu.memory_space<vmem_shared>> -> memref<512xf32, #tpu.memory_space<vmem_shared>>
      %dma_wait3A_42 = arith.constant 0 : i32
      %dma_wait3A_43 = tpu.memref_slice %arg16[%arg1, %dma_wait3A_42] : memref<16x512xf32, #tpu.memory_space<vmem_shared>> -> memref<1x512xf32, #tpu.memory_space<vmem_shared>>
      %dma_wait3A_44 = tpu.memref_squeeze %dma_wait3A_43 : memref<1x512xf32, #tpu.memory_space<vmem_shared>> -> memref<512xf32, #tpu.memory_space<vmem_shared>>
      tpu.wait_dma2 semaphore(%run_scoped3A : memref<!tpu.dma_semaphore, #tpu.memory_space<semaphore_mem>>) src(%arg14 : memref<512xf32, #tpu.memory_space<vmem>>) dst(%dma_wait3A_44 : memref<512xf32, #tpu.memory_space<vmem_shared>>)
      tpu.yield
    }) : () -> ()
    %barrier3A = arith.constant 0 : index
    tpu.barrier barrier_id(%barrier3A)
    %eq3A_30 = arith.constant 0 : i32
    %eq3A_31 = arith.cmpi eq, %arg1, %eq3A_30 : i32
    %convert_element_type3A_32 = arith.extui %eq3A_31 : i1 to i32
    %cond3A_33 = arith.constant 0 : i32
    %cond3A_34 = arith.cmpi ne, %convert_element_type3A_32, %cond3A_33 : i32
    scf.if %cond3A_34 {
      %run_scoped3A = arith.constant 0 : i32
      "tpu.region"() ({
        %run_scoped3A_56 = tpu.sem_alloc : memref<!tpu.dma_semaphore, #tpu.memory_space<semaphore_mem>>
        %dma_start3A = arith.constant 0 : i32
        %dma_start3A_57 = tpu.memref_slice %arg15[%dma_start3A] : memref<8192xf32, #tpu.memory_space<vmem>> -> memref<512xf32, #tpu.memory_space<vmem>>
        %dma_start3A_58 = arith.constant 0 : i32
        %dma_start3A_59 = tpu.memref_slice %arg16[%run_scoped3A, %dma_start3A_58] : memref<16x512xf32, #tpu.memory_space<vmem_shared>> -> memref<1x512xf32, #tpu.memory_space<vmem_shared>>
        %dma_start3A_60 = tpu.memref_squeeze %dma_start3A_59 : memref<1x512xf32, #tpu.memory_space<vmem_shared>> -> memref<512xf32, #tpu.memory_space<vmem_shared>>
        %dma_start3A_61 = arith.constant 0 : i32
        %dma_start3A_62 = tpu.memref_slice %arg15[%dma_start3A_61] : memref<8192xf32, #tpu.memory_space<vmem>> -> memref<512xf32, #tpu.memory_space<vmem>>
        %dma_start3A_63 = arith.constant 0 : i32
        %dma_start3A_64 = tpu.memref_slice %arg16[%run_scoped3A, %dma_start3A_63] : memref<16x512xf32, #tpu.memory_space<vmem_shared>> -> memref<1x512xf32, #tpu.memory_space<vmem_shared>>
        %dma_start3A_65 = tpu.memref_squeeze %dma_start3A_64 : memref<1x512xf32, #tpu.memory_space<vmem_shared>> -> memref<512xf32, #tpu.memory_space<vmem_shared>>
        tpu.enqueue_dma source(%dma_start3A_65 : memref<512xf32, #tpu.memory_space<vmem_shared>>) target(%dma_start3A_62 : memref<512xf32, #tpu.memory_space<vmem>>) target_semaphore(%run_scoped3A_56 : memref<!tpu.dma_semaphore, #tpu.memory_space<semaphore_mem>>)
        %dma_wait3A = arith.constant 0 : i32
        %dma_wait3A_66 = tpu.memref_slice %arg15[%dma_wait3A] : memref<8192xf32, #tpu.memory_space<vmem>> -> memref<512xf32, #tpu.memory_space<vmem>>
        %dma_wait3A_67 = arith.constant 0 : i32
        %dma_wait3A_68 = tpu.memref_slice %arg16[%run_scoped3A, %dma_wait3A_67] : memref<16x512xf32, #tpu.memory_space<vmem_shared>> -> memref<1x512xf32, #tpu.memory_space<vmem_shared>>
        %dma_wait3A_69 = tpu.memref_squeeze %dma_wait3A_68 : memref<1x512xf32, #tpu.memory_space<vmem_shared>> -> memref<512xf32, #tpu.memory_space<vmem_shared>>
        %dma_wait3A_70 = arith.constant 0 : i32
        %dma_wait3A_71 = tpu.memref_slice %arg15[%dma_wait3A_70] : memref<8192xf32, #tpu.memory_space<vmem>> -> memref<512xf32, #tpu.memory_space<vmem>>
        %dma_wait3A_72 = arith.constant 0 : i32
        %dma_wait3A_73 = tpu.memref_slice %arg16[%run_scoped3A, %dma_wait3A_72] : memref<16x512xf32, #tpu.memory_space<vmem_shared>> -> memref<1x512xf32, #tpu.memory_space<vmem_shared>>
        %dma_wait3A_74 = tpu.memref_squeeze %dma_wait3A_73 : memref<1x512xf32, #tpu.memory_space<vmem_shared>> -> memref<512xf32, #tpu.memory_space<vmem_shared>>
        tpu.wait_dma2 semaphore(%run_scoped3A_56 : memref<!tpu.dma_semaphore, #tpu.memory_space<semaphore_mem>>) src(%dma_wait3A_74 : memref<512xf32, #tpu.memory_space<vmem_shared>>) dst(%dma_wait3A_71 : memref<512xf32, #tpu.memory_space<vmem>>)
        tpu.yield
      }) : () -> ()
      %run_scoped3A_35 = arith.constant 1 : i32
      "tpu.region"() ({
        %run_scoped3A_56 = tpu.sem_alloc : memref<!tpu.dma_semaphore, #tpu.memory_space<semaphore_mem>>
        %dma_start3A = arith.constant 512 : i32
        %dma_start3A_57 = tpu.memref_slice %arg15[%dma_start3A] : memref<8192xf32, #tpu.memory_space<vmem>> -> memref<512xf32, #tpu.memory_space<vmem>>
        %dma_start3A_58 = arith.constant 0 : i32
        %dma_start3A_59 = tpu.memref_slice %arg16[%run_scoped3A_35, %dma_start3A_58] : memref<16x512xf32, #tpu.memory_space<vmem_shared>> -> memref<1x512xf32, #tpu.memory_space<vmem_shared>>
        %dma_start3A_60 = tpu.memref_squeeze %dma_start3A_59 : memref<1x512xf32, #tpu.memory_space<vmem_shared>> -> memref<512xf32, #tpu.memory_space<vmem_shared>>
        %dma_start3A_61 = arith.constant 512 : i32
        %dma_start3A_62 = tpu.memref_slice %arg15[%dma_start3A_61] : memref<8192xf32, #tpu.memory_space<vmem>> -> memref<512xf32, #tpu.memory_space<vmem>>
        %dma_start3A_63 = arith.constant 0 : i32
        %dma_start3A_64 = tpu.memref_slice %arg16[%run_scoped3A_35, %dma_start3A_63] : memref<16x512xf32, #tpu.memory_space<vmem_shared>> -> memref<1x512xf32, #tpu.memory_space<vmem_shared>>
        %dma_start3A_65 = tpu.memref_squeeze %dma_start3A_64 : memref<1x512xf32, #tpu.memory_space<vmem_shared>> -> memref<512xf32, #tpu.memory_space<vmem_shared>>
        tpu.enqueue_dma source(%dma_start3A_65 : memref<512xf32, #tpu.memory_space<vmem_shared>>) target(%dma_start3A_62 : memref<512xf32, #tpu.memory_space<vmem>>) target_semaphore(%run_scoped3A_56 : memref<!tpu.dma_semaphore, #tpu.memory_space<semaphore_mem>>)
        %dma_wait3A = arith.constant 512 : i32
        %dma_wait3A_66 = tpu.memref_slice %arg15[%dma_wait3A] : memref<8192xf32, #tpu.memory_space<vmem>> -> memref<512xf32, #tpu.memory_space<vmem>>
        %dma_wait3A_67 = arith.constant 0 : i32
        %dma_wait3A_68 = tpu.memref_slice %arg16[%run_scoped3A_35, %dma_wait3A_67] : memref<16x512xf32, #tpu.memory_space<vmem_shared>> -> memref<1x512xf32, #tpu.memory_space<vmem_shared>>
        %dma_wait3A_69 = tpu.memref_squeeze %dma_wait3A_68 : memref<1x512xf32, #tpu.memory_space<vmem_shared>> -> memref<512xf32, #tpu.memory_space<vmem_shared>>
        %dma_wait3A_70 = arith.constant 512 : i32
        %dma_wait3A_71 = tpu.memref_slice %arg15[%dma_wait3A_70] : memref<8192xf32, #tpu.memory_space<vmem>> -> memref<512xf32, #tpu.memory_space<vmem>>
        %dma_wait3A_72 = arith.constant 0 : i32
        %dma_wait3A_73 = tpu.memref_slice %arg16[%run_scoped3A_35, %dma_wait3A_72] : memref<16x512xf32, #tpu.memory_space<vmem_shared>> -> memref<1x512xf32, #tpu.memory_space<vmem_shared>>
        %dma_wait3A_74 = tpu.memref_squeeze %dma_wait3A_73 : memref<1x512xf32, #tpu.memory_space<vmem_shared>> -> memref<512xf32, #tpu.memory_space<vmem_shared>>
        tpu.wait_dma2 semaphore(%run_scoped3A_56 : memref<!tpu.dma_semaphore, #tpu.memory_space<semaphore_mem>>) src(%dma_wait3A_74 : memref<512xf32, #tpu.memory_space<vmem_shared>>) dst(%dma_wait3A_71 : memref<512xf32, #tpu.memory_space<vmem>>)
        tpu.yield
      }) : () -> ()
      %run_scoped3A_36 = arith.constant 2 : i32
      "tpu.region"() ({
        %run_scoped3A_56 = tpu.sem_alloc : memref<!tpu.dma_semaphore, #tpu.memory_space<semaphore_mem>>
        %dma_start3A = arith.constant 1024 : i32
        %dma_start3A_57 = tpu.memref_slice %arg15[%dma_start3A] : memref<8192xf32, #tpu.memory_space<vmem>> -> memref<512xf32, #tpu.memory_space<vmem>>
        %dma_start3A_58 = arith.constant 0 : i32
        %dma_start3A_59 = tpu.memref_slice %arg16[%run_scoped3A_36, %dma_start3A_58] : memref<16x512xf32, #tpu.memory_space<vmem_shared>> -> memref<1x512xf32, #tpu.memory_space<vmem_shared>>
        %dma_start3A_60 = tpu.memref_squeeze %dma_start3A_59 : memref<1x512xf32, #tpu.memory_space<vmem_shared>> -> memref<512xf32, #tpu.memory_space<vmem_shared>>
        %dma_start3A_61 = arith.constant 1024 : i32
        %dma_start3A_62 = tpu.memref_slice %arg15[%dma_start3A_61] : memref<8192xf32, #tpu.memory_space<vmem>> -> memref<512xf32, #tpu.memory_space<vmem>>
        %dma_start3A_63 = arith.constant 0 : i32
        %dma_start3A_64 = tpu.memref_slice %arg16[%run_scoped3A_36, %dma_start3A_63] : memref<16x512xf32, #tpu.memory_space<vmem_shared>> -> memref<1x512xf32, #tpu.memory_space<vmem_shared>>
        %dma_start3A_65 = tpu.memref_squeeze %dma_start3A_64 : memref<1x512xf32, #tpu.memory_space<vmem_shared>> -> memref<512xf32, #tpu.memory_space<vmem_shared>>
        tpu.enqueue_dma source(%dma_start3A_65 : memref<512xf32, #tpu.memory_space<vmem_shared>>) target(%dma_start3A_62 : memref<512xf32, #tpu.memory_space<vmem>>) target_semaphore(%run_scoped3A_56 : memref<!tpu.dma_semaphore, #tpu.memory_space<semaphore_mem>>)
        %dma_wait3A = arith.constant 1024 : i32
        %dma_wait3A_66 = tpu.memref_slice %arg15[%dma_wait3A] : memref<8192xf32, #tpu.memory_space<vmem>> -> memref<512xf32, #tpu.memory_space<vmem>>
        %dma_wait3A_67 = arith.constant 0 : i32
        %dma_wait3A_68 = tpu.memref_slice %arg16[%run_scoped3A_36, %dma_wait3A_67] : memref<16x512xf32, #tpu.memory_space<vmem_shared>> -> memref<1x512xf32, #tpu.memory_space<vmem_shared>>
        %dma_wait3A_69 = tpu.memref_squeeze %dma_wait3A_68 : memref<1x512xf32, #tpu.memory_space<vmem_shared>> -> memref<512xf32, #tpu.memory_space<vmem_shared>>
        %dma_wait3A_70 = arith.constant 1024 : i32
        %dma_wait3A_71 = tpu.memref_slice %arg15[%dma_wait3A_70] : memref<8192xf32, #tpu.memory_space<vmem>> -> memref<512xf32, #tpu.memory_space<vmem>>
        %dma_wait3A_72 = arith.constant 0 : i32
        %dma_wait3A_73 = tpu.memref_slice %arg16[%run_scoped3A_36, %dma_wait3A_72] : memref<16x512xf32, #tpu.memory_space<vmem_shared>> -> memref<1x512xf32, #tpu.memory_space<vmem_shared>>
        %dma_wait3A_74 = tpu.memref_squeeze %dma_wait3A_73 : memref<1x512xf32, #tpu.memory_space<vmem_shared>> -> memref<512xf32, #tpu.memory_space<vmem_shared>>
        tpu.wait_dma2 semaphore(%run_scoped3A_56 : memref<!tpu.dma_semaphore, #tpu.memory_space<semaphore_mem>>) src(%dma_wait3A_74 : memref<512xf32, #tpu.memory_space<vmem_shared>>) dst(%dma_wait3A_71 : memref<512xf32, #tpu.memory_space<vmem>>)
        tpu.yield
      }) : () -> ()
      %run_scoped3A_37 = arith.constant 3 : i32
      "tpu.region"() ({
        %run_scoped3A_56 = tpu.sem_alloc : memref<!tpu.dma_semaphore, #tpu.memory_space<semaphore_mem>>
        %dma_start3A = arith.constant 1536 : i32
        %dma_start3A_57 = tpu.memref_slice %arg15[%dma_start3A] : memref<8192xf32, #tpu.memory_space<vmem>> -> memref<512xf32, #tpu.memory_space<vmem>>
        %dma_start3A_58 = arith.constant 0 : i32
        %dma_start3A_59 = tpu.memref_slice %arg16[%run_scoped3A_37, %dma_start3A_58] : memref<16x512xf32, #tpu.memory_space<vmem_shared>> -> memref<1x512xf32, #tpu.memory_space<vmem_shared>>
        %dma_start3A_60 = tpu.memref_squeeze %dma_start3A_59 : memref<1x512xf32, #tpu.memory_space<vmem_shared>> -> memref<512xf32, #tpu.memory_space<vmem_shared>>
        %dma_start3A_61 = arith.constant 1536 : i32
        %dma_start3A_62 = tpu.memref_slice %arg15[%dma_start3A_61] : memref<8192xf32, #tpu.memory_space<vmem>> -> memref<512xf32, #tpu.memory_space<vmem>>
        %dma_start3A_63 = arith.constant 0 : i32
        %dma_start3A_64 = tpu.memref_slice %arg16[%run_scoped3A_37, %dma_start3A_63] : memref<16x512xf32, #tpu.memory_space<vmem_shared>> -> memref<1x512xf32, #tpu.memory_space<vmem_shared>>
        %dma_start3A_65 = tpu.memref_squeeze %dma_start3A_64 : memref<1x512xf32, #tpu.memory_space<vmem_shared>> -> memref<512xf32, #tpu.memory_space<vmem_shared>>
        tpu.enqueue_dma source(%dma_start3A_65 : memref<512xf32, #tpu.memory_space<vmem_shared>>) target(%dma_start3A_62 : memref<512xf32, #tpu.memory_space<vmem>>) target_semaphore(%run_scoped3A_56 : memref<!tpu.dma_semaphore, #tpu.memory_space<semaphore_mem>>)
        %dma_wait3A = arith.constant 1536 : i32
        %dma_wait3A_66 = tpu.memref_slice %arg15[%dma_wait3A] : memref<8192xf32, #tpu.memory_space<vmem>> -> memref<512xf32, #tpu.memory_space<vmem>>
        %dma_wait3A_67 = arith.constant 0 : i32
        %dma_wait3A_68 = tpu.memref_slice %arg16[%run_scoped3A_37, %dma_wait3A_67] : memref<16x512xf32, #tpu.memory_space<vmem_shared>> -> memref<1x512xf32, #tpu.memory_space<vmem_shared>>
        %dma_wait3A_69 = tpu.memref_squeeze %dma_wait3A_68 : memref<1x512xf32, #tpu.memory_space<vmem_shared>> -> memref<512xf32, #tpu.memory_space<vmem_shared>>
        %dma_wait3A_70 = arith.constant 1536 : i32
        %dma_wait3A_71 = tpu.memref_slice %arg15[%dma_wait3A_70] : memref<8192xf32, #tpu.memory_space<vmem>> -> memref<512xf32, #tpu.memory_space<vmem>>
        %dma_wait3A_72 = arith.constant 0 : i32
        %dma_wait3A_73 = tpu.memref_slice %arg16[%run_scoped3A_37, %dma_wait3A_72] : memref<16x512xf32, #tpu.memory_space<vmem_shared>> -> memref<1x512xf32, #tpu.memory_space<vmem_shared>>
        %dma_wait3A_74 = tpu.memref_squeeze %dma_wait3A_73 : memref<1x512xf32, #tpu.memory_space<vmem_shared>> -> memref<512xf32, #tpu.memory_space<vmem_shared>>
        tpu.wait_dma2 semaphore(%run_scoped3A_56 : memref<!tpu.dma_semaphore, #tpu.memory_space<semaphore_mem>>) src(%dma_wait3A_74 : memref<512xf32, #tpu.memory_space<vmem_shared>>) dst(%dma_wait3A_71 : memref<512xf32, #tpu.memory_space<vmem>>)
        tpu.yield
      }) : () -> ()
      %run_scoped3A_38 = arith.constant 4 : i32
      "tpu.region"() ({
        %run_scoped3A_56 = tpu.sem_alloc : memref<!tpu.dma_semaphore, #tpu.memory_space<semaphore_mem>>
        %dma_start3A = arith.constant 2048 : i32
        %dma_start3A_57 = tpu.memref_slice %arg15[%dma_start3A] : memref<8192xf32, #tpu.memory_space<vmem>> -> memref<512xf32, #tpu.memory_space<vmem>>
        %dma_start3A_58 = arith.constant 0 : i32
        %dma_start3A_59 = tpu.memref_slice %arg16[%run_scoped3A_38, %dma_start3A_58] : memref<16x512xf32, #tpu.memory_space<vmem_shared>> -> memref<1x512xf32, #tpu.memory_space<vmem_shared>>
        %dma_start3A_60 = tpu.memref_squeeze %dma_start3A_59 : memref<1x512xf32, #tpu.memory_space<vmem_shared>> -> memref<512xf32, #tpu.memory_space<vmem_shared>>
        %dma_start3A_61 = arith.constant 2048 : i32
        %dma_start3A_62 = tpu.memref_slice %arg15[%dma_start3A_61] : memref<8192xf32, #tpu.memory_space<vmem>> -> memref<512xf32, #tpu.memory_space<vmem>>
        %dma_start3A_63 = arith.constant 0 : i32
        %dma_start3A_64 = tpu.memref_slice %arg16[%run_scoped3A_38, %dma_start3A_63] : memref<16x512xf32, #tpu.memory_space<vmem_shared>> -> memref<1x512xf32, #tpu.memory_space<vmem_shared>>
        %dma_start3A_65 = tpu.memref_squeeze %dma_start3A_64 : memref<1x512xf32, #tpu.memory_space<vmem_shared>> -> memref<512xf32, #tpu.memory_space<vmem_shared>>
        tpu.enqueue_dma source(%dma_start3A_65 : memref<512xf32, #tpu.memory_space<vmem_shared>>) target(%dma_start3A_62 : memref<512xf32, #tpu.memory_space<vmem>>) target_semaphore(%run_scoped3A_56 : memref<!tpu.dma_semaphore, #tpu.memory_space<semaphore_mem>>)
        %dma_wait3A = arith.constant 2048 : i32
        %dma_wait3A_66 = tpu.memref_slice %arg15[%dma_wait3A] : memref<8192xf32, #tpu.memory_space<vmem>> -> memref<512xf32, #tpu.memory_space<vmem>>
        %dma_wait3A_67 = arith.constant 0 : i32
        %dma_wait3A_68 = tpu.memref_slice %arg16[%run_scoped3A_38, %dma_wait3A_67] : memref<16x512xf32, #tpu.memory_space<vmem_shared>> -> memref<1x512xf32, #tpu.memory_space<vmem_shared>>
        %dma_wait3A_69 = tpu.memref_squeeze %dma_wait3A_68 : memref<1x512xf32, #tpu.memory_space<vmem_shared>> -> memref<512xf32, #tpu.memory_space<vmem_shared>>
        %dma_wait3A_70 = arith.constant 2048 : i32
        %dma_wait3A_71 = tpu.memref_slice %arg15[%dma_wait3A_70] : memref<8192xf32, #tpu.memory_space<vmem>> -> memref<512xf32, #tpu.memory_space<vmem>>
        %dma_wait3A_72 = arith.constant 0 : i32
        %dma_wait3A_73 = tpu.memref_slice %arg16[%run_scoped3A_38, %dma_wait3A_72] : memref<16x512xf32, #tpu.memory_space<vmem_shared>> -> memref<1x512xf32, #tpu.memory_space<vmem_shared>>
        %dma_wait3A_74 = tpu.memref_squeeze %dma_wait3A_73 : memref<1x512xf32, #tpu.memory_space<vmem_shared>> -> memref<512xf32, #tpu.memory_space<vmem_shared>>
        tpu.wait_dma2 semaphore(%run_scoped3A_56 : memref<!tpu.dma_semaphore, #tpu.memory_space<semaphore_mem>>) src(%dma_wait3A_74 : memref<512xf32, #tpu.memory_space<vmem_shared>>) dst(%dma_wait3A_71 : memref<512xf32, #tpu.memory_space<vmem>>)
        tpu.yield
      }) : () -> ()
      %run_scoped3A_39 = arith.constant 5 : i32
      "tpu.region"() ({
        %run_scoped3A_56 = tpu.sem_alloc : memref<!tpu.dma_semaphore, #tpu.memory_space<semaphore_mem>>
        %dma_start3A = arith.constant 2560 : i32
        %dma_start3A_57 = tpu.memref_slice %arg15[%dma_start3A] : memref<8192xf32, #tpu.memory_space<vmem>> -> memref<512xf32, #tpu.memory_space<vmem>>
        %dma_start3A_58 = arith.constant 0 : i32
        %dma_start3A_59 = tpu.memref_slice %arg16[%run_scoped3A_39, %dma_start3A_58] : memref<16x512xf32, #tpu.memory_space<vmem_shared>> -> memref<1x512xf32, #tpu.memory_space<vmem_shared>>
        %dma_start3A_60 = tpu.memref_squeeze %dma_start3A_59 : memref<1x512xf32, #tpu.memory_space<vmem_shared>> -> memref<512xf32, #tpu.memory_space<vmem_shared>>
        %dma_start3A_61 = arith.constant 2560 : i32
        %dma_start3A_62 = tpu.memref_slice %arg15[%dma_start3A_61] : memref<8192xf32, #tpu.memory_space<vmem>> -> memref<512xf32, #tpu.memory_space<vmem>>
        %dma_start3A_63 = arith.constant 0 : i32
        %dma_start3A_64 = tpu.memref_slice %arg16[%run_scoped3A_39, %dma_start3A_63] : memref<16x512xf32, #tpu.memory_space<vmem_shared>> -> memref<1x512xf32, #tpu.memory_space<vmem_shared>>
        %dma_start3A_65 = tpu.memref_squeeze %dma_start3A_64 : memref<1x512xf32, #tpu.memory_space<vmem_shared>> -> memref<512xf32, #tpu.memory_space<vmem_shared>>
        tpu.enqueue_dma source(%dma_start3A_65 : memref<512xf32, #tpu.memory_space<vmem_shared>>) target(%dma_start3A_62 : memref<512xf32, #tpu.memory_space<vmem>>) target_semaphore(%run_scoped3A_56 : memref<!tpu.dma_semaphore, #tpu.memory_space<semaphore_mem>>)
        %dma_wait3A = arith.constant 2560 : i32
        %dma_wait3A_66 = tpu.memref_slice %arg15[%dma_wait3A] : memref<8192xf32, #tpu.memory_space<vmem>> -> memref<512xf32, #tpu.memory_space<vmem>>
        %dma_wait3A_67 = arith.constant 0 : i32
        %dma_wait3A_68 = tpu.memref_slice %arg16[%run_scoped3A_39, %dma_wait3A_67] : memref<16x512xf32, #tpu.memory_space<vmem_shared>> -> memref<1x512xf32, #tpu.memory_space<vmem_shared>>
        %dma_wait3A_69 = tpu.memref_squeeze %dma_wait3A_68 : memref<1x512xf32, #tpu.memory_space<vmem_shared>> -> memref<512xf32, #tpu.memory_space<vmem_shared>>
        %dma_wait3A_70 = arith.constant 2560 : i32
        %dma_wait3A_71 = tpu.memref_slice %arg15[%dma_wait3A_70] : memref<8192xf32, #tpu.memory_space<vmem>> -> memref<512xf32, #tpu.memory_space<vmem>>
        %dma_wait3A_72 = arith.constant 0 : i32
        %dma_wait3A_73 = tpu.memref_slice %arg16[%run_scoped3A_39, %dma_wait3A_72] : memref<16x512xf32, #tpu.memory_space<vmem_shared>> -> memref<1x512xf32, #tpu.memory_space<vmem_shared>>
        %dma_wait3A_74 = tpu.memref_squeeze %dma_wait3A_73 : memref<1x512xf32, #tpu.memory_space<vmem_shared>> -> memref<512xf32, #tpu.memory_space<vmem_shared>>
        tpu.wait_dma2 semaphore(%run_scoped3A_56 : memref<!tpu.dma_semaphore, #tpu.memory_space<semaphore_mem>>) src(%dma_wait3A_74 : memref<512xf32, #tpu.memory_space<vmem_shared>>) dst(%dma_wait3A_71 : memref<512xf32, #tpu.memory_space<vmem>>)
        tpu.yield
      }) : () -> ()
      %run_scoped3A_40 = arith.constant 6 : i32
      "tpu.region"() ({
        %run_scoped3A_56 = tpu.sem_alloc : memref<!tpu.dma_semaphore, #tpu.memory_space<semaphore_mem>>
        %dma_start3A = arith.constant 3072 : i32
        %dma_start3A_57 = tpu.memref_slice %arg15[%dma_start3A] : memref<8192xf32, #tpu.memory_space<vmem>> -> memref<512xf32, #tpu.memory_space<vmem>>
        %dma_start3A_58 = arith.constant 0 : i32
        %dma_start3A_59 = tpu.memref_slice %arg16[%run_scoped3A_40, %dma_start3A_58] : memref<16x512xf32, #tpu.memory_space<vmem_shared>> -> memref<1x512xf32, #tpu.memory_space<vmem_shared>>
        %dma_start3A_60 = tpu.memref_squeeze %dma_start3A_59 : memref<1x512xf32, #tpu.memory_space<vmem_shared>> -> memref<512xf32, #tpu.memory_space<vmem_shared>>
        %dma_start3A_61 = arith.constant 3072 : i32
        %dma_start3A_62 = tpu.memref_slice %arg15[%dma_start3A_61] : memref<8192xf32, #tpu.memory_space<vmem>> -> memref<512xf32, #tpu.memory_space<vmem>>
        %dma_start3A_63 = arith.constant 0 : i32
        %dma_start3A_64 = tpu.memref_slice %arg16[%run_scoped3A_40, %dma_start3A_63] : memref<16x512xf32, #tpu.memory_space<vmem_shared>> -> memref<1x512xf32, #tpu.memory_space<vmem_shared>>
        %dma_start3A_65 = tpu.memref_squeeze %dma_start3A_64 : memref<1x512xf32, #tpu.memory_space<vmem_shared>> -> memref<512xf32, #tpu.memory_space<vmem_shared>>
        tpu.enqueue_dma source(%dma_start3A_65 : memref<512xf32, #tpu.memory_space<vmem_shared>>) target(%dma_start3A_62 : memref<512xf32, #tpu.memory_space<vmem>>) target_semaphore(%run_scoped3A_56 : memref<!tpu.dma_semaphore, #tpu.memory_space<semaphore_mem>>)
        %dma_wait3A = arith.constant 3072 : i32
        %dma_wait3A_66 = tpu.memref_slice %arg15[%dma_wait3A] : memref<8192xf32, #tpu.memory_space<vmem>> -> memref<512xf32, #tpu.memory_space<vmem>>
        %dma_wait3A_67 = arith.constant 0 : i32
        %dma_wait3A_68 = tpu.memref_slice %arg16[%run_scoped3A_40, %dma_wait3A_67] : memref<16x512xf32, #tpu.memory_space<vmem_shared>> -> memref<1x512xf32, #tpu.memory_space<vmem_shared>>
        %dma_wait3A_69 = tpu.memref_squeeze %dma_wait3A_68 : memref<1x512xf32, #tpu.memory_space<vmem_shared>> -> memref<512xf32, #tpu.memory_space<vmem_shared>>
        %dma_wait3A_70 = arith.constant 3072 : i32
        %dma_wait3A_71 = tpu.memref_slice %arg15[%dma_wait3A_70] : memref<8192xf32, #tpu.memory_space<vmem>> -> memref<512xf32, #tpu.memory_space<vmem>>
        %dma_wait3A_72 = arith.constant 0 : i32
        %dma_wait3A_73 = tpu.memref_slice %arg16[%run_scoped3A_40, %dma_wait3A_72] : memref<16x512xf32, #tpu.memory_space<vmem_shared>> -> memref<1x512xf32, #tpu.memory_space<vmem_shared>>
        %dma_wait3A_74 = tpu.memref_squeeze %dma_wait3A_73 : memref<1x512xf32, #tpu.memory_space<vmem_shared>> -> memref<512xf32, #tpu.memory_space<vmem_shared>>
        tpu.wait_dma2 semaphore(%run_scoped3A_56 : memref<!tpu.dma_semaphore, #tpu.memory_space<semaphore_mem>>) src(%dma_wait3A_74 : memref<512xf32, #tpu.memory_space<vmem_shared>>) dst(%dma_wait3A_71 : memref<512xf32, #tpu.memory_space<vmem>>)
        tpu.yield
      }) : () -> ()
      %run_scoped3A_41 = arith.constant 7 : i32
      "tpu.region"() ({
        %run_scoped3A_56 = tpu.sem_alloc : memref<!tpu.dma_semaphore, #tpu.memory_space<semaphore_mem>>
        %dma_start3A = arith.constant 3584 : i32
        %dma_start3A_57 = tpu.memref_slice %arg15[%dma_start3A] : memref<8192xf32, #tpu.memory_space<vmem>> -> memref<512xf32, #tpu.memory_space<vmem>>
        %dma_start3A_58 = arith.constant 0 : i32
        %dma_start3A_59 = tpu.memref_slice %arg16[%run_scoped3A_41, %dma_start3A_58] : memref<16x512xf32, #tpu.memory_space<vmem_shared>> -> memref<1x512xf32, #tpu.memory_space<vmem_shared>>
        %dma_start3A_60 = tpu.memref_squeeze %dma_start3A_59 : memref<1x512xf32, #tpu.memory_space<vmem_shared>> -> memref<512xf32, #tpu.memory_space<vmem_shared>>
        %dma_start3A_61 = arith.constant 3584 : i32
        %dma_start3A_62 = tpu.memref_slice %arg15[%dma_start3A_61] : memref<8192xf32, #tpu.memory_space<vmem>> -> memref<512xf32, #tpu.memory_space<vmem>>
        %dma_start3A_63 = arith.constant 0 : i32
        %dma_start3A_64 = tpu.memref_slice %arg16[%run_scoped3A_41, %dma_start3A_63] : memref<16x512xf32, #tpu.memory_space<vmem_shared>> -> memref<1x512xf32, #tpu.memory_space<vmem_shared>>
        %dma_start3A_65 = tpu.memref_squeeze %dma_start3A_64 : memref<1x512xf32, #tpu.memory_space<vmem_shared>> -> memref<512xf32, #tpu.memory_space<vmem_shared>>
        tpu.enqueue_dma source(%dma_start3A_65 : memref<512xf32, #tpu.memory_space<vmem_shared>>) target(%dma_start3A_62 : memref<512xf32, #tpu.memory_space<vmem>>) target_semaphore(%run_scoped3A_56 : memref<!tpu.dma_semaphore, #tpu.memory_space<semaphore_mem>>)
        %dma_wait3A = arith.constant 3584 : i32
        %dma_wait3A_66 = tpu.memref_slice %arg15[%dma_wait3A] : memref<8192xf32, #tpu.memory_space<vmem>> -> memref<512xf32, #tpu.memory_space<vmem>>
        %dma_wait3A_67 = arith.constant 0 : i32
        %dma_wait3A_68 = tpu.memref_slice %arg16[%run_scoped3A_41, %dma_wait3A_67] : memref<16x512xf32, #tpu.memory_space<vmem_shared>> -> memref<1x512xf32, #tpu.memory_space<vmem_shared>>
        %dma_wait3A_69 = tpu.memref_squeeze %dma_wait3A_68 : memref<1x512xf32, #tpu.memory_space<vmem_shared>> -> memref<512xf32, #tpu.memory_space<vmem_shared>>
        %dma_wait3A_70 = arith.constant 3584 : i32
        %dma_wait3A_71 = tpu.memref_slice %arg15[%dma_wait3A_70] : memref<8192xf32, #tpu.memory_space<vmem>> -> memref<512xf32, #tpu.memory_space<vmem>>
        %dma_wait3A_72 = arith.constant 0 : i32
        %dma_wait3A_73 = tpu.memref_slice %arg16[%run_scoped3A_41, %dma_wait3A_72] : memref<16x512xf32, #tpu.memory_space<vmem_shared>> -> memref<1x512xf32, #tpu.memory_space<vmem_shared>>
        %dma_wait3A_74 = tpu.memref_squeeze %dma_wait3A_73 : memref<1x512xf32, #tpu.memory_space<vmem_shared>> -> memref<512xf32, #tpu.memory_space<vmem_shared>>
        tpu.wait_dma2 semaphore(%run_scoped3A_56 : memref<!tpu.dma_semaphore, #tpu.memory_space<semaphore_mem>>) src(%dma_wait3A_74 : memref<512xf32, #tpu.memory_space<vmem_shared>>) dst(%dma_wait3A_71 : memref<512xf32, #tpu.memory_space<vmem>>)
        tpu.yield
      }) : () -> ()
      %run_scoped3A_42 = arith.constant 8 : i32
      "tpu.region"() ({
        %run_scoped3A_56 = tpu.sem_alloc : memref<!tpu.dma_semaphore, #tpu.memory_space<semaphore_mem>>
        %dma_start3A = arith.constant 4096 : i32
        %dma_start3A_57 = tpu.memref_slice %arg15[%dma_start3A] : memref<8192xf32, #tpu.memory_space<vmem>> -> memref<512xf32, #tpu.memory_space<vmem>>
        %dma_start3A_58 = arith.constant 0 : i32
        %dma_start3A_59 = tpu.memref_slice %arg16[%run_scoped3A_42, %dma_start3A_58] : memref<16x512xf32, #tpu.memory_space<vmem_shared>> -> memref<1x512xf32, #tpu.memory_space<vmem_shared>>
        %dma_start3A_60 = tpu.memref_squeeze %dma_start3A_59 : memref<1x512xf32, #tpu.memory_space<vmem_shared>> -> memref<512xf32, #tpu.memory_space<vmem_shared>>
        %dma_start3A_61 = arith.constant 4096 : i32
        %dma_start3A_62 = tpu.memref_slice %arg15[%dma_start3A_61] : memref<8192xf32, #tpu.memory_space<vmem>> -> memref<512xf32, #tpu.memory_space<vmem>>
        %dma_start3A_63 = arith.constant 0 : i32
        %dma_start3A_64 = tpu.memref_slice %arg16[%run_scoped3A_42, %dma_start3A_63] : memref<16x512xf32, #tpu.memory_space<vmem_shared>> -> memref<1x512xf32, #tpu.memory_space<vmem_shared>>
        %dma_start3A_65 = tpu.memref_squeeze %dma_start3A_64 : memref<1x512xf32, #tpu.memory_space<vmem_shared>> -> memref<512xf32, #tpu.memory_space<vmem_shared>>
        tpu.enqueue_dma source(%dma_start3A_65 : memref<512xf32, #tpu.memory_space<vmem_shared>>) target(%dma_start3A_62 : memref<512xf32, #tpu.memory_space<vmem>>) target_semaphore(%run_scoped3A_56 : memref<!tpu.dma_semaphore, #tpu.memory_space<semaphore_mem>>)
        %dma_wait3A = arith.constant 4096 : i32
        %dma_wait3A_66 = tpu.memref_slice %arg15[%dma_wait3A] : memref<8192xf32, #tpu.memory_space<vmem>> -> memref<512xf32, #tpu.memory_space<vmem>>
        %dma_wait3A_67 = arith.constant 0 : i32
        %dma_wait3A_68 = tpu.memref_slice %arg16[%run_scoped3A_42, %dma_wait3A_67] : memref<16x512xf32, #tpu.memory_space<vmem_shared>> -> memref<1x512xf32, #tpu.memory_space<vmem_shared>>
        %dma_wait3A_69 = tpu.memref_squeeze %dma_wait3A_68 : memref<1x512xf32, #tpu.memory_space<vmem_shared>> -> memref<512xf32, #tpu.memory_space<vmem_shared>>
        %dma_wait3A_70 = arith.constant 4096 : i32
        %dma_wait3A_71 = tpu.memref_slice %arg15[%dma_wait3A_70] : memref<8192xf32, #tpu.memory_space<vmem>> -> memref<512xf32, #tpu.memory_space<vmem>>
        %dma_wait3A_72 = arith.constant 0 : i32
        %dma_wait3A_73 = tpu.memref_slice %arg16[%run_scoped3A_42, %dma_wait3A_72] : memref<16x512xf32, #tpu.memory_space<vmem_shared>> -> memref<1x512xf32, #tpu.memory_space<vmem_shared>>
        %dma_wait3A_74 = tpu.memref_squeeze %dma_wait3A_73 : memref<1x512xf32, #tpu.memory_space<vmem_shared>> -> memref<512xf32, #tpu.memory_space<vmem_shared>>
        tpu.wait_dma2 semaphore(%run_scoped3A_56 : memref<!tpu.dma_semaphore, #tpu.memory_space<semaphore_mem>>) src(%dma_wait3A_74 : memref<512xf32, #tpu.memory_space<vmem_shared>>) dst(%dma_wait3A_71 : memref<512xf32, #tpu.memory_space<vmem>>)
        tpu.yield
      }) : () -> ()
      %run_scoped3A_43 = arith.constant 9 : i32
      "tpu.region"() ({
        %run_scoped3A_56 = tpu.sem_alloc : memref<!tpu.dma_semaphore, #tpu.memory_space<semaphore_mem>>
        %dma_start3A = arith.constant 4608 : i32
        %dma_start3A_57 = tpu.memref_slice %arg15[%dma_start3A] : memref<8192xf32, #tpu.memory_space<vmem>> -> memref<512xf32, #tpu.memory_space<vmem>>
        %dma_start3A_58 = arith.constant 0 : i32
        %dma_start3A_59 = tpu.memref_slice %arg16[%run_scoped3A_43, %dma_start3A_58] : memref<16x512xf32, #tpu.memory_space<vmem_shared>> -> memref<1x512xf32, #tpu.memory_space<vmem_shared>>
        %dma_start3A_60 = tpu.memref_squeeze %dma_start3A_59 : memref<1x512xf32, #tpu.memory_space<vmem_shared>> -> memref<512xf32, #tpu.memory_space<vmem_shared>>
        %dma_start3A_61 = arith.constant 4608 : i32
        %dma_start3A_62 = tpu.memref_slice %arg15[%dma_start3A_61] : memref<8192xf32, #tpu.memory_space<vmem>> -> memref<512xf32, #tpu.memory_space<vmem>>
        %dma_start3A_63 = arith.constant 0 : i32
        %dma_start3A_64 = tpu.memref_slice %arg16[%run_scoped3A_43, %dma_start3A_63] : memref<16x512xf32, #tpu.memory_space<vmem_shared>> -> memref<1x512xf32, #tpu.memory_space<vmem_shared>>
        %dma_start3A_65 = tpu.memref_squeeze %dma_start3A_64 : memref<1x512xf32, #tpu.memory_space<vmem_shared>> -> memref<512xf32, #tpu.memory_space<vmem_shared>>
        tpu.enqueue_dma source(%dma_start3A_65 : memref<512xf32, #tpu.memory_space<vmem_shared>>) target(%dma_start3A_62 : memref<512xf32, #tpu.memory_space<vmem>>) target_semaphore(%run_scoped3A_56 : memref<!tpu.dma_semaphore, #tpu.memory_space<semaphore_mem>>)
        %dma_wait3A = arith.constant 4608 : i32
        %dma_wait3A_66 = tpu.memref_slice %arg15[%dma_wait3A] : memref<8192xf32, #tpu.memory_space<vmem>> -> memref<512xf32, #tpu.memory_space<vmem>>
        %dma_wait3A_67 = arith.constant 0 : i32
        %dma_wait3A_68 = tpu.memref_slice %arg16[%run_scoped3A_43, %dma_wait3A_67] : memref<16x512xf32, #tpu.memory_space<vmem_shared>> -> memref<1x512xf32, #tpu.memory_space<vmem_shared>>
        %dma_wait3A_69 = tpu.memref_squeeze %dma_wait3A_68 : memref<1x512xf32, #tpu.memory_space<vmem_shared>> -> memref<512xf32, #tpu.memory_space<vmem_shared>>
        %dma_wait3A_70 = arith.constant 4608 : i32
        %dma_wait3A_71 = tpu.memref_slice %arg15[%dma_wait3A_70] : memref<8192xf32, #tpu.memory_space<vmem>> -> memref<512xf32, #tpu.memory_space<vmem>>
        %dma_wait3A_72 = arith.constant 0 : i32
        %dma_wait3A_73 = tpu.memref_slice %arg16[%run_scoped3A_43, %dma_wait3A_72] : memref<16x512xf32, #tpu.memory_space<vmem_shared>> -> memref<1x512xf32, #tpu.memory_space<vmem_shared>>
        %dma_wait3A_74 = tpu.memref_squeeze %dma_wait3A_73 : memref<1x512xf32, #tpu.memory_space<vmem_shared>> -> memref<512xf32, #tpu.memory_space<vmem_shared>>
        tpu.wait_dma2 semaphore(%run_scoped3A_56 : memref<!tpu.dma_semaphore, #tpu.memory_space<semaphore_mem>>) src(%dma_wait3A_74 : memref<512xf32, #tpu.memory_space<vmem_shared>>) dst(%dma_wait3A_71 : memref<512xf32, #tpu.memory_space<vmem>>)
        tpu.yield
      }) : () -> ()
      %run_scoped3A_44 = arith.constant 10 : i32
      "tpu.region"() ({
        %run_scoped3A_56 = tpu.sem_alloc : memref<!tpu.dma_semaphore, #tpu.memory_space<semaphore_mem>>
        %dma_start3A = arith.constant 5120 : i32
        %dma_start3A_57 = tpu.memref_slice %arg15[%dma_start3A] : memref<8192xf32, #tpu.memory_space<vmem>> -> memref<512xf32, #tpu.memory_space<vmem>>
        %dma_start3A_58 = arith.constant 0 : i32
        %dma_start3A_59 = tpu.memref_slice %arg16[%run_scoped3A_44, %dma_start3A_58] : memref<16x512xf32, #tpu.memory_space<vmem_shared>> -> memref<1x512xf32, #tpu.memory_space<vmem_shared>>
        %dma_start3A_60 = tpu.memref_squeeze %dma_start3A_59 : memref<1x512xf32, #tpu.memory_space<vmem_shared>> -> memref<512xf32, #tpu.memory_space<vmem_shared>>
        %dma_start3A_61 = arith.constant 5120 : i32
        %dma_start3A_62 = tpu.memref_slice %arg15[%dma_start3A_61] : memref<8192xf32, #tpu.memory_space<vmem>> -> memref<512xf32, #tpu.memory_space<vmem>>
        %dma_start3A_63 = arith.constant 0 : i32
        %dma_start3A_64 = tpu.memref_slice %arg16[%run_scoped3A_44, %dma_start3A_63] : memref<16x512xf32, #tpu.memory_space<vmem_shared>> -> memref<1x512xf32, #tpu.memory_space<vmem_shared>>
        %dma_start3A_65 = tpu.memref_squeeze %dma_start3A_64 : memref<1x512xf32, #tpu.memory_space<vmem_shared>> -> memref<512xf32, #tpu.memory_space<vmem_shared>>
        tpu.enqueue_dma source(%dma_start3A_65 : memref<512xf32, #tpu.memory_space<vmem_shared>>) target(%dma_start3A_62 : memref<512xf32, #tpu.memory_space<vmem>>) target_semaphore(%run_scoped3A_56 : memref<!tpu.dma_semaphore, #tpu.memory_space<semaphore_mem>>)
        %dma_wait3A = arith.constant 5120 : i32
        %dma_wait3A_66 = tpu.memref_slice %arg15[%dma_wait3A] : memref<8192xf32, #tpu.memory_space<vmem>> -> memref<512xf32, #tpu.memory_space<vmem>>
        %dma_wait3A_67 = arith.constant 0 : i32
        %dma_wait3A_68 = tpu.memref_slice %arg16[%run_scoped3A_44, %dma_wait3A_67] : memref<16x512xf32, #tpu.memory_space<vmem_shared>> -> memref<1x512xf32, #tpu.memory_space<vmem_shared>>
        %dma_wait3A_69 = tpu.memref_squeeze %dma_wait3A_68 : memref<1x512xf32, #tpu.memory_space<vmem_shared>> -> memref<512xf32, #tpu.memory_space<vmem_shared>>
        %dma_wait3A_70 = arith.constant 5120 : i32
        %dma_wait3A_71 = tpu.memref_slice %arg15[%dma_wait3A_70] : memref<8192xf32, #tpu.memory_space<vmem>> -> memref<512xf32, #tpu.memory_space<vmem>>
        %dma_wait3A_72 = arith.constant 0 : i32
        %dma_wait3A_73 = tpu.memref_slice %arg16[%run_scoped3A_44, %dma_wait3A_72] : memref<16x512xf32, #tpu.memory_space<vmem_shared>> -> memref<1x512xf32, #tpu.memory_space<vmem_shared>>
        %dma_wait3A_74 = tpu.memref_squeeze %dma_wait3A_73 : memref<1x512xf32, #tpu.memory_space<vmem_shared>> -> memref<512xf32, #tpu.memory_space<vmem_shared>>
        tpu.wait_dma2 semaphore(%run_scoped3A_56 : memref<!tpu.dma_semaphore, #tpu.memory_space<semaphore_mem>>) src(%dma_wait3A_74 : memref<512xf32, #tpu.memory_space<vmem_shared>>) dst(%dma_wait3A_71 : memref<512xf32, #tpu.memory_space<vmem>>)
        tpu.yield
      }) : () -> ()
      %run_scoped3A_45 = arith.constant 11 : i32
      "tpu.region"() ({
        %run_scoped3A_56 = tpu.sem_alloc : memref<!tpu.dma_semaphore, #tpu.memory_space<semaphore_mem>>
        %dma_start3A = arith.constant 5632 : i32
        %dma_start3A_57 = tpu.memref_slice %arg15[%dma_start3A] : memref<8192xf32, #tpu.memory_space<vmem>> -> memref<512xf32, #tpu.memory_space<vmem>>
        %dma_start3A_58 = arith.constant 0 : i32
        %dma_start3A_59 = tpu.memref_slice %arg16[%run_scoped3A_45, %dma_start3A_58] : memref<16x512xf32, #tpu.memory_space<vmem_shared>> -> memref<1x512xf32, #tpu.memory_space<vmem_shared>>
        %dma_start3A_60 = tpu.memref_squeeze %dma_start3A_59 : memref<1x512xf32, #tpu.memory_space<vmem_shared>> -> memref<512xf32, #tpu.memory_space<vmem_shared>>
        %dma_start3A_61 = arith.constant 5632 : i32
        %dma_start3A_62 = tpu.memref_slice %arg15[%dma_start3A_61] : memref<8192xf32, #tpu.memory_space<vmem>> -> memref<512xf32, #tpu.memory_space<vmem>>
        %dma_start3A_63 = arith.constant 0 : i32
        %dma_start3A_64 = tpu.memref_slice %arg16[%run_scoped3A_45, %dma_start3A_63] : memref<16x512xf32, #tpu.memory_space<vmem_shared>> -> memref<1x512xf32, #tpu.memory_space<vmem_shared>>
        %dma_start3A_65 = tpu.memref_squeeze %dma_start3A_64 : memref<1x512xf32, #tpu.memory_space<vmem_shared>> -> memref<512xf32, #tpu.memory_space<vmem_shared>>
        tpu.enqueue_dma source(%dma_start3A_65 : memref<512xf32, #tpu.memory_space<vmem_shared>>) target(%dma_start3A_62 : memref<512xf32, #tpu.memory_space<vmem>>) target_semaphore(%run_scoped3A_56 : memref<!tpu.dma_semaphore, #tpu.memory_space<semaphore_mem>>)
        %dma_wait3A = arith.constant 5632 : i32
        %dma_wait3A_66 = tpu.memref_slice %arg15[%dma_wait3A] : memref<8192xf32, #tpu.memory_space<vmem>> -> memref<512xf32, #tpu.memory_space<vmem>>
        %dma_wait3A_67 = arith.constant 0 : i32
        %dma_wait3A_68 = tpu.memref_slice %arg16[%run_scoped3A_45, %dma_wait3A_67] : memref<16x512xf32, #tpu.memory_space<vmem_shared>> -> memref<1x512xf32, #tpu.memory_space<vmem_shared>>
        %dma_wait3A_69 = tpu.memref_squeeze %dma_wait3A_68 : memref<1x512xf32, #tpu.memory_space<vmem_shared>> -> memref<512xf32, #tpu.memory_space<vmem_shared>>
        %dma_wait3A_70 = arith.constant 5632 : i32
        %dma_wait3A_71 = tpu.memref_slice %arg15[%dma_wait3A_70] : memref<8192xf32, #tpu.memory_space<vmem>> -> memref<512xf32, #tpu.memory_space<vmem>>
        %dma_wait3A_72 = arith.constant 0 : i32
        %dma_wait3A_73 = tpu.memref_slice %arg16[%run_scoped3A_45, %dma_wait3A_72] : memref<16x512xf32, #tpu.memory_space<vmem_shared>> -> memref<1x512xf32, #tpu.memory_space<vmem_shared>>
        %dma_wait3A_74 = tpu.memref_squeeze %dma_wait3A_73 : memref<1x512xf32, #tpu.memory_space<vmem_shared>> -> memref<512xf32, #tpu.memory_space<vmem_shared>>
        tpu.wait_dma2 semaphore(%run_scoped3A_56 : memref<!tpu.dma_semaphore, #tpu.memory_space<semaphore_mem>>) src(%dma_wait3A_74 : memref<512xf32, #tpu.memory_space<vmem_shared>>) dst(%dma_wait3A_71 : memref<512xf32, #tpu.memory_space<vmem>>)
        tpu.yield
      }) : () -> ()
      %run_scoped3A_46 = arith.constant 12 : i32
      "tpu.region"() ({
        %run_scoped3A_56 = tpu.sem_alloc : memref<!tpu.dma_semaphore, #tpu.memory_space<semaphore_mem>>
        %dma_start3A = arith.constant 6144 : i32
        %dma_start3A_57 = tpu.memref_slice %arg15[%dma_start3A] : memref<8192xf32, #tpu.memory_space<vmem>> -> memref<512xf32, #tpu.memory_space<vmem>>
        %dma_start3A_58 = arith.constant 0 : i32
        %dma_start3A_59 = tpu.memref_slice %arg16[%run_scoped3A_46, %dma_start3A_58] : memref<16x512xf32, #tpu.memory_space<vmem_shared>> -> memref<1x512xf32, #tpu.memory_space<vmem_shared>>
        %dma_start3A_60 = tpu.memref_squeeze %dma_start3A_59 : memref<1x512xf32, #tpu.memory_space<vmem_shared>> -> memref<512xf32, #tpu.memory_space<vmem_shared>>
        %dma_start3A_61 = arith.constant 6144 : i32
        %dma_start3A_62 = tpu.memref_slice %arg15[%dma_start3A_61] : memref<8192xf32, #tpu.memory_space<vmem>> -> memref<512xf32, #tpu.memory_space<vmem>>
        %dma_start3A_63 = arith.constant 0 : i32
        %dma_start3A_64 = tpu.memref_slice %arg16[%run_scoped3A_46, %dma_start3A_63] : memref<16x512xf32, #tpu.memory_space<vmem_shared>> -> memref<1x512xf32, #tpu.memory_space<vmem_shared>>
        %dma_start3A_65 = tpu.memref_squeeze %dma_start3A_64 : memref<1x512xf32, #tpu.memory_space<vmem_shared>> -> memref<512xf32, #tpu.memory_space<vmem_shared>>
        tpu.enqueue_dma source(%dma_start3A_65 : memref<512xf32, #tpu.memory_space<vmem_shared>>) target(%dma_start3A_62 : memref<512xf32, #tpu.memory_space<vmem>>) target_semaphore(%run_scoped3A_56 : memref<!tpu.dma_semaphore, #tpu.memory_space<semaphore_mem>>)
        %dma_wait3A = arith.constant 6144 : i32
        %dma_wait3A_66 = tpu.memref_slice %arg15[%dma_wait3A] : memref<8192xf32, #tpu.memory_space<vmem>> -> memref<512xf32, #tpu.memory_space<vmem>>
        %dma_wait3A_67 = arith.constant 0 : i32
        %dma_wait3A_68 = tpu.memref_slice %arg16[%run_scoped3A_46, %dma_wait3A_67] : memref<16x512xf32, #tpu.memory_space<vmem_shared>> -> memref<1x512xf32, #tpu.memory_space<vmem_shared>>
        %dma_wait3A_69 = tpu.memref_squeeze %dma_wait3A_68 : memref<1x512xf32, #tpu.memory_space<vmem_shared>> -> memref<512xf32, #tpu.memory_space<vmem_shared>>
        %dma_wait3A_70 = arith.constant 6144 : i32
        %dma_wait3A_71 = tpu.memref_slice %arg15[%dma_wait3A_70] : memref<8192xf32, #tpu.memory_space<vmem>> -> memref<512xf32, #tpu.memory_space<vmem>>
        %dma_wait3A_72 = arith.constant 0 : i32
        %dma_wait3A_73 = tpu.memref_slice %arg16[%run_scoped3A_46, %dma_wait3A_72] : memref<16x512xf32, #tpu.memory_space<vmem_shared>> -> memref<1x512xf32, #tpu.memory_space<vmem_shared>>
        %dma_wait3A_74 = tpu.memref_squeeze %dma_wait3A_73 : memref<1x512xf32, #tpu.memory_space<vmem_shared>> -> memref<512xf32, #tpu.memory_space<vmem_shared>>
        tpu.wait_dma2 semaphore(%run_scoped3A_56 : memref<!tpu.dma_semaphore, #tpu.memory_space<semaphore_mem>>) src(%dma_wait3A_74 : memref<512xf32, #tpu.memory_space<vmem_shared>>) dst(%dma_wait3A_71 : memref<512xf32, #tpu.memory_space<vmem>>)
        tpu.yield
      }) : () -> ()
      %run_scoped3A_47 = arith.constant 13 : i32
      "tpu.region"() ({
        %run_scoped3A_56 = tpu.sem_alloc : memref<!tpu.dma_semaphore, #tpu.memory_space<semaphore_mem>>
        %dma_start3A = arith.constant 6656 : i32
        %dma_start3A_57 = tpu.memref_slice %arg15[%dma_start3A] : memref<8192xf32, #tpu.memory_space<vmem>> -> memref<512xf32, #tpu.memory_space<vmem>>
        %dma_start3A_58 = arith.constant 0 : i32
        %dma_start3A_59 = tpu.memref_slice %arg16[%run_scoped3A_47, %dma_start3A_58] : memref<16x512xf32, #tpu.memory_space<vmem_shared>> -> memref<1x512xf32, #tpu.memory_space<vmem_shared>>
        %dma_start3A_60 = tpu.memref_squeeze %dma_start3A_59 : memref<1x512xf32, #tpu.memory_space<vmem_shared>> -> memref<512xf32, #tpu.memory_space<vmem_shared>>
        %dma_start3A_61 = arith.constant 6656 : i32
        %dma_start3A_62 = tpu.memref_slice %arg15[%dma_start3A_61] : memref<8192xf32, #tpu.memory_space<vmem>> -> memref<512xf32, #tpu.memory_space<vmem>>
        %dma_start3A_63 = arith.constant 0 : i32
        %dma_start3A_64 = tpu.memref_slice %arg16[%run_scoped3A_47, %dma_start3A_63] : memref<16x512xf32, #tpu.memory_space<vmem_shared>> -> memref<1x512xf32, #tpu.memory_space<vmem_shared>>
        %dma_start3A_65 = tpu.memref_squeeze %dma_start3A_64 : memref<1x512xf32, #tpu.memory_space<vmem_shared>> -> memref<512xf32, #tpu.memory_space<vmem_shared>>
        tpu.enqueue_dma source(%dma_start3A_65 : memref<512xf32, #tpu.memory_space<vmem_shared>>) target(%dma_start3A_62 : memref<512xf32, #tpu.memory_space<vmem>>) target_semaphore(%run_scoped3A_56 : memref<!tpu.dma_semaphore, #tpu.memory_space<semaphore_mem>>)
        %dma_wait3A = arith.constant 6656 : i32
        %dma_wait3A_66 = tpu.memref_slice %arg15[%dma_wait3A] : memref<8192xf32, #tpu.memory_space<vmem>> -> memref<512xf32, #tpu.memory_space<vmem>>
        %dma_wait3A_67 = arith.constant 0 : i32
        %dma_wait3A_68 = tpu.memref_slice %arg16[%run_scoped3A_47, %dma_wait3A_67] : memref<16x512xf32, #tpu.memory_space<vmem_shared>> -> memref<1x512xf32, #tpu.memory_space<vmem_shared>>
        %dma_wait3A_69 = tpu.memref_squeeze %dma_wait3A_68 : memref<1x512xf32, #tpu.memory_space<vmem_shared>> -> memref<512xf32, #tpu.memory_space<vmem_shared>>
        %dma_wait3A_70 = arith.constant 6656 : i32
        %dma_wait3A_71 = tpu.memref_slice %arg15[%dma_wait3A_70] : memref<8192xf32, #tpu.memory_space<vmem>> -> memref<512xf32, #tpu.memory_space<vmem>>
        %dma_wait3A_72 = arith.constant 0 : i32
        %dma_wait3A_73 = tpu.memref_slice %arg16[%run_scoped3A_47, %dma_wait3A_72] : memref<16x512xf32, #tpu.memory_space<vmem_shared>> -> memref<1x512xf32, #tpu.memory_space<vmem_shared>>
        %dma_wait3A_74 = tpu.memref_squeeze %dma_wait3A_73 : memref<1x512xf32, #tpu.memory_space<vmem_shared>> -> memref<512xf32, #tpu.memory_space<vmem_shared>>
        tpu.wait_dma2 semaphore(%run_scoped3A_56 : memref<!tpu.dma_semaphore, #tpu.memory_space<semaphore_mem>>) src(%dma_wait3A_74 : memref<512xf32, #tpu.memory_space<vmem_shared>>) dst(%dma_wait3A_71 : memref<512xf32, #tpu.memory_space<vmem>>)
        tpu.yield
      }) : () -> ()
      %run_scoped3A_48 = arith.constant 14 : i32
      "tpu.region"() ({
        %run_scoped3A_56 = tpu.sem_alloc : memref<!tpu.dma_semaphore, #tpu.memory_space<semaphore_mem>>
        %dma_start3A = arith.constant 7168 : i32
        %dma_start3A_57 = tpu.memref_slice %arg15[%dma_start3A] : memref<8192xf32, #tpu.memory_space<vmem>> -> memref<512xf32, #tpu.memory_space<vmem>>
        %dma_start3A_58 = arith.constant 0 : i32
        %dma_start3A_59 = tpu.memref_slice %arg16[%run_scoped3A_48, %dma_start3A_58] : memref<16x512xf32, #tpu.memory_space<vmem_shared>> -> memref<1x512xf32, #tpu.memory_space<vmem_shared>>
        %dma_start3A_60 = tpu.memref_squeeze %dma_start3A_59 : memref<1x512xf32, #tpu.memory_space<vmem_shared>> -> memref<512xf32, #tpu.memory_space<vmem_shared>>
        %dma_start3A_61 = arith.constant 7168 : i32
        %dma_start3A_62 = tpu.memref_slice %arg15[%dma_start3A_61] : memref<8192xf32, #tpu.memory_space<vmem>> -> memref<512xf32, #tpu.memory_space<vmem>>
        %dma_start3A_63 = arith.constant 0 : i32
        %dma_start3A_64 = tpu.memref_slice %arg16[%run_scoped3A_48, %dma_start3A_63] : memref<16x512xf32, #tpu.memory_space<vmem_shared>> -> memref<1x512xf32, #tpu.memory_space<vmem_shared>>
        %dma_start3A_65 = tpu.memref_squeeze %dma_start3A_64 : memref<1x512xf32, #tpu.memory_space<vmem_shared>> -> memref<512xf32, #tpu.memory_space<vmem_shared>>
        tpu.enqueue_dma source(%dma_start3A_65 : memref<512xf32, #tpu.memory_space<vmem_shared>>) target(%dma_start3A_62 : memref<512xf32, #tpu.memory_space<vmem>>) target_semaphore(%run_scoped3A_56 : memref<!tpu.dma_semaphore, #tpu.memory_space<semaphore_mem>>)
        %dma_wait3A = arith.constant 7168 : i32
        %dma_wait3A_66 = tpu.memref_slice %arg15[%dma_wait3A] : memref<8192xf32, #tpu.memory_space<vmem>> -> memref<512xf32, #tpu.memory_space<vmem>>
        %dma_wait3A_67 = arith.constant 0 : i32
        %dma_wait3A_68 = tpu.memref_slice %arg16[%run_scoped3A_48, %dma_wait3A_67] : memref<16x512xf32, #tpu.memory_space<vmem_shared>> -> memref<1x512xf32, #tpu.memory_space<vmem_shared>>
        %dma_wait3A_69 = tpu.memref_squeeze %dma_wait3A_68 : memref<1x512xf32, #tpu.memory_space<vmem_shared>> -> memref<512xf32, #tpu.memory_space<vmem_shared>>
        %dma_wait3A_70 = arith.constant 7168 : i32
        %dma_wait3A_71 = tpu.memref_slice %arg15[%dma_wait3A_70] : memref<8192xf32, #tpu.memory_space<vmem>> -> memref<512xf32, #tpu.memory_space<vmem>>
        %dma_wait3A_72 = arith.constant 0 : i32
        %dma_wait3A_73 = tpu.memref_slice %arg16[%run_scoped3A_48, %dma_wait3A_72] : memref<16x512xf32, #tpu.memory_space<vmem_shared>> -> memref<1x512xf32, #tpu.memory_space<vmem_shared>>
        %dma_wait3A_74 = tpu.memref_squeeze %dma_wait3A_73 : memref<1x512xf32, #tpu.memory_space<vmem_shared>> -> memref<512xf32, #tpu.memory_space<vmem_shared>>
        tpu.wait_dma2 semaphore(%run_scoped3A_56 : memref<!tpu.dma_semaphore, #tpu.memory_space<semaphore_mem>>) src(%dma_wait3A_74 : memref<512xf32, #tpu.memory_space<vmem_shared>>) dst(%dma_wait3A_71 : memref<512xf32, #tpu.memory_space<vmem>>)
        tpu.yield
      }) : () -> ()
      %run_scoped3A_49 = arith.constant 15 : i32
      "tpu.region"() ({
        %run_scoped3A_56 = tpu.sem_alloc : memref<!tpu.dma_semaphore, #tpu.memory_space<semaphore_mem>>
        %dma_start3A = arith.constant 7680 : i32
        %dma_start3A_57 = tpu.memref_slice %arg15[%dma_start3A] : memref<8192xf32, #tpu.memory_space<vmem>> -> memref<512xf32, #tpu.memory_space<vmem>>
        %dma_start3A_58 = arith.constant 0 : i32
        %dma_start3A_59 = tpu.memref_slice %arg16[%run_scoped3A_49, %dma_start3A_58] : memref<16x512xf32, #tpu.memory_space<vmem_shared>> -> memref<1x512xf32, #tpu.memory_space<vmem_shared>>
        %dma_start3A_60 = tpu.memref_squeeze %dma_start3A_59 : memref<1x512xf32, #tpu.memory_space<vmem_shared>> -> memref<512xf32, #tpu.memory_space<vmem_shared>>
        %dma_start3A_61 = arith.constant 7680 : i32
        %dma_start3A_62 = tpu.memref_slice %arg15[%dma_start3A_61] : memref<8192xf32, #tpu.memory_space<vmem>> -> memref<512xf32, #tpu.memory_space<vmem>>
        %dma_start3A_63 = arith.constant 0 : i32
        %dma_start3A_64 = tpu.memref_slice %arg16[%run_scoped3A_49, %dma_start3A_63] : memref<16x512xf32, #tpu.memory_space<vmem_shared>> -> memref<1x512xf32, #tpu.memory_space<vmem_shared>>
        %dma_start3A_65 = tpu.memref_squeeze %dma_start3A_64 : memref<1x512xf32, #tpu.memory_space<vmem_shared>> -> memref<512xf32, #tpu.memory_space<vmem_shared>>
        tpu.enqueue_dma source(%dma_start3A_65 : memref<512xf32, #tpu.memory_space<vmem_shared>>) target(%dma_start3A_62 : memref<512xf32, #tpu.memory_space<vmem>>) target_semaphore(%run_scoped3A_56 : memref<!tpu.dma_semaphore, #tpu.memory_space<semaphore_mem>>)
        %dma_wait3A = arith.constant 7680 : i32
        %dma_wait3A_66 = tpu.memref_slice %arg15[%dma_wait3A] : memref<8192xf32, #tpu.memory_space<vmem>> -> memref<512xf32, #tpu.memory_space<vmem>>
        %dma_wait3A_67 = arith.constant 0 : i32
        %dma_wait3A_68 = tpu.memref_slice %arg16[%run_scoped3A_49, %dma_wait3A_67] : memref<16x512xf32, #tpu.memory_space<vmem_shared>> -> memref<1x512xf32, #tpu.memory_space<vmem_shared>>
        %dma_wait3A_69 = tpu.memref_squeeze %dma_wait3A_68 : memref<1x512xf32, #tpu.memory_space<vmem_shared>> -> memref<512xf32, #tpu.memory_space<vmem_shared>>
        %dma_wait3A_70 = arith.constant 7680 : i32
        %dma_wait3A_71 = tpu.memref_slice %arg15[%dma_wait3A_70] : memref<8192xf32, #tpu.memory_space<vmem>> -> memref<512xf32, #tpu.memory_space<vmem>>
        %dma_wait3A_72 = arith.constant 0 : i32
        %dma_wait3A_73 = tpu.memref_slice %arg16[%run_scoped3A_49, %dma_wait3A_72] : memref<16x512xf32, #tpu.memory_space<vmem_shared>> -> memref<1x512xf32, #tpu.memory_space<vmem_shared>>
        %dma_wait3A_74 = tpu.memref_squeeze %dma_wait3A_73 : memref<1x512xf32, #tpu.memory_space<vmem_shared>> -> memref<512xf32, #tpu.memory_space<vmem_shared>>
        tpu.wait_dma2 semaphore(%run_scoped3A_56 : memref<!tpu.dma_semaphore, #tpu.memory_space<semaphore_mem>>) src(%dma_wait3A_74 : memref<512xf32, #tpu.memory_space<vmem_shared>>) dst(%dma_wait3A_71 : memref<512xf32, #tpu.memory_space<vmem>>)
        tpu.yield
      }) : () -> ()
      %scan3A_50 = arith.constant 0 : i32
      %scan3A_51 = arith.constant 0 : i32
      %scan3A_52 = arith.constant 32 : i32
      %scan3A_53 = arith.addi %scan3A_51, %scan3A_52 : i32
      %scan3A_54 = arith.constant 1 : i32
      scf.for %scan3A_56 = %scan3A_51 to %scan3A_53 step %scan3A_54  : i32 {
        %mul3A_57 = arith.constant 16 : i32
        %mul3A_58 = arith.muli %scan3A_56, %mul3A_57 : i32
        %get3A = arith.index_cast %mul3A_58 : i32 to index
        %get3A_59 = tpu.vector_load %arg15[%get3A] {strides = array<i32>} : memref<8192xf32, #tpu.memory_space<vmem>>, vector<16xf32>,
        %add3A_60 = arith.constant 512 : i32
        %add3A_61 = arith.addi %add3A_60, %mul3A_58 : i32
        %get3A_62 = arith.index_cast %add3A_61 : i32 to index
        %get3A_63 = tpu.vector_load %arg15[%get3A_62] {strides = array<i32>} : memref<8192xf32, #tpu.memory_space<vmem>>, vector<16xf32>,
        %add3A_64 = arith.addf %get3A_59, %get3A_63 : vector<16xf32>
        %add3A_65 = arith.constant 1024 : i32
        %add3A_66 = arith.addi %add3A_65, %mul3A_58 : i32
        %get3A_67 = arith.index_cast %add3A_66 : i32 to index
        %get3A_68 = tpu.vector_load %arg15[%get3A_67] {strides = array<i32>} : memref<8192xf32, #tpu.memory_space<vmem>>, vector<16xf32>,
        %add3A_69 = arith.addf %add3A_64, %get3A_68 : vector<16xf32>
        %add3A_70 = arith.constant 1536 : i32
        %add3A_71 = arith.addi %add3A_70, %mul3A_58 : i32
        %get3A_72 = arith.index_cast %add3A_71 : i32 to index
        %get3A_73 = tpu.vector_load %arg15[%get3A_72] {strides = array<i32>} : memref<8192xf32, #tpu.memory_space<vmem>>, vector<16xf32>,
        %add3A_74 = arith.addf %add3A_69, %get3A_73 : vector<16xf32>
        %add3A_75 = arith.constant 2048 : i32
        %add3A_76 = arith.addi %add3A_75, %mul3A_58 : i32
        %get3A_77 = arith.index_cast %add3A_76 : i32 to index
        %get3A_78 = tpu.vector_load %arg15[%get3A_77] {strides = array<i32>} : memref<8192xf32, #tpu.memory_space<vmem>>, vector<16xf32>,
        %add3A_79 = arith.addf %add3A_74, %get3A_78 : vector<16xf32>
        %add3A_80 = arith.constant 2560 : i32
        %add3A_81 = arith.addi %add3A_80, %mul3A_58 : i32
        %get3A_82 = arith.index_cast %add3A_81 : i32 to index
        %get3A_83 = tpu.vector_load %arg15[%get3A_82] {strides = array<i32>} : memref<8192xf32, #tpu.memory_space<vmem>>, vector<16xf32>,
        %add3A_84 = arith.addf %add3A_79, %get3A_83 : vector<16xf32>
        %add3A_85 = arith.constant 3072 : i32
        %add3A_86 = arith.addi %add3A_85, %mul3A_58 : i32
        %get3A_87 = arith.index_cast %add3A_86 : i32 to index
        %get3A_88 = tpu.vector_load %arg15[%get3A_87] {strides = array<i32>} : memref<8192xf32, #tpu.memory_space<vmem>>, vector<16xf32>,
        %add3A_89 = arith.addf %add3A_84, %get3A_88 : vector<16xf32>
        %add3A_90 = arith.constant 3584 : i32
        %add3A_91 = arith.addi %add3A_90, %mul3A_58 : i32
        %get3A_92 = arith.index_cast %add3A_91 : i32 to index
        %get3A_93 = tpu.vector_load %arg15[%get3A_92] {strides = array<i32>} : memref<8192xf32, #tpu.memory_space<vmem>>, vector<16xf32>,
        %add3A_94 = arith.addf %add3A_89, %get3A_93 : vector<16xf32>
        %add3A_95 = arith.constant 4096 : i32
        %add3A_96 = arith.addi %add3A_95, %mul3A_58 : i32
        %get3A_97 = arith.index_cast %add3A_96 : i32 to index
        %get3A_98 = tpu.vector_load %arg15[%get3A_97] {strides = array<i32>} : memref<8192xf32, #tpu.memory_space<vmem>>, vector<16xf32>,
        %add3A_99 = arith.addf %add3A_94, %get3A_98 : vector<16xf32>
        %add3A_100 = arith.constant 4608 : i32
        %add3A_101 = arith.addi %add3A_100, %mul3A_58 : i32
        %get3A_102 = arith.index_cast %add3A_101 : i32 to index
        %get3A_103 = tpu.vector_load %arg15[%get3A_102] {strides = array<i32>} : memref<8192xf32, #tpu.memory_space<vmem>>, vector<16xf32>,
        %add3A_104 = arith.addf %add3A_99, %get3A_103 : vector<16xf32>
        %add3A_105 = arith.constant 5120 : i32
        %add3A_106 = arith.addi %add3A_105, %mul3A_58 : i32
        %get3A_107 = arith.index_cast %add3A_106 : i32 to index
        %get3A_108 = tpu.vector_load %arg15[%get3A_107] {strides = array<i32>} : memref<8192xf32, #tpu.memory_space<vmem>>, vector<16xf32>,
        %add3A_109 = arith.addf %add3A_104, %get3A_108 : vector<16xf32>
        %add3A_110 = arith.constant 5632 : i32
        %add3A_111 = arith.addi %add3A_110, %mul3A_58 : i32
        %get3A_112 = arith.index_cast %add3A_111 : i32 to index
        %get3A_113 = tpu.vector_load %arg15[%get3A_112] {strides = array<i32>} : memref<8192xf32, #tpu.memory_space<vmem>>, vector<16xf32>,
        %add3A_114 = arith.addf %add3A_109, %get3A_113 : vector<16xf32>
        %add3A_115 = arith.constant 6144 : i32
        %add3A_116 = arith.addi %add3A_115, %mul3A_58 : i32
        %get3A_117 = arith.index_cast %add3A_116 : i32 to index
        %get3A_118 = tpu.vector_load %arg15[%get3A_117] {strides = array<i32>} : memref<8192xf32, #tpu.memory_space<vmem>>, vector<16xf32>,
        %add3A_119 = arith.addf %add3A_114, %get3A_118 : vector<16xf32>
        %add3A_120 = arith.constant 6656 : i32
        %add3A_121 = arith.addi %add3A_120, %mul3A_58 : i32
        %get3A_122 = arith.index_cast %add3A_121 : i32 to index
        %get3A_123 = tpu.vector_load %arg15[%get3A_122] {strides = array<i32>} : memref<8192xf32, #tpu.memory_space<vmem>>, vector<16xf32>,
        %add3A_124 = arith.addf %add3A_119, %get3A_123 : vector<16xf32>
        %add3A_125 = arith.constant 7168 : i32
        %add3A_126 = arith.addi %add3A_125, %mul3A_58 : i32
        %get3A_127 = arith.index_cast %add3A_126 : i32 to index
        %get3A_128 = tpu.vector_load %arg15[%get3A_127] {strides = array<i32>} : memref<8192xf32, #tpu.memory_space<vmem>>, vector<16xf32>,
        %add3A_129 = arith.addf %add3A_124, %get3A_128 : vector<16xf32>
        %add3A_130 = arith.constant 7680 : i32
        %add3A_131 = arith.addi %add3A_130, %mul3A_58 : i32
        %get3A_132 = arith.index_cast %add3A_131 : i32 to index
        %get3A_133 = tpu.vector_load %arg15[%get3A_132] {strides = array<i32>} : memref<8192xf32, #tpu.memory_space<vmem>>, vector<16xf32>,
        %add3A_134 = arith.addf %add3A_129, %get3A_133 : vector<16xf32>
        %swap3A = arith.index_cast %mul3A_58 : i32 to index
        %swap3A_135 = tpu.vector_load %arg14[%swap3A] {strides = array<i32>} : memref<512xf32, #tpu.memory_space<vmem>>, vector<16xf32>,
        tpu.vector_store %arg14[%swap3A], %add3A_134 {strides = array<i32>} : memref<512xf32, #tpu.memory_space<vmem>>, vector<16xf32>,
      }
      %scan3A_55 = arith.constant 32 : i32
      "tpu.region"() ({
        %run_scoped3A_56 = tpu.sem_alloc : memref<!tpu.dma_semaphore, #tpu.memory_space<semaphore_mem>>
        %dma_start3A = arith.constant 0 : i32
        %dma_start3A_57 = tpu.memref_slice %arg7[%arg0, %dma_start3A] : memref<2x512xf32, #tpu.memory_space<hbm>> -> memref<1x512xf32, #tpu.memory_space<hbm>>
        %dma_start3A_58 = tpu.memref_squeeze %dma_start3A_57 : memref<1x512xf32, #tpu.memory_space<hbm>> -> memref<512xf32, #tpu.memory_space<hbm>>
        %dma_start3A_59 = arith.constant 0 : i32
        %dma_start3A_60 = tpu.memref_slice %arg7[%arg0, %dma_start3A_59] : memref<2x512xf32, #tpu.memory_space<hbm>> -> memref<1x512xf32, #tpu.memory_space<hbm>>
        %dma_start3A_61 = tpu.memref_squeeze %dma_start3A_60 : memref<1x512xf32, #tpu.memory_space<hbm>> -> memref<512xf32, #tpu.memory_space<hbm>>
        tpu.enqueue_dma source(%arg14 : memref<512xf32, #tpu.memory_space<vmem>>) target(%dma_start3A_61 : memref<512xf32, #tpu.memory_space<hbm>>) target_semaphore(%run_scoped3A_56 : memref<!tpu.dma_semaphore, #tpu.memory_space<semaphore_mem>>)
        %dma_wait3A = arith.constant 0 : i32
        %dma_wait3A_62 = tpu.memref_slice %arg7[%arg0, %dma_wait3A] : memref<2x512xf32, #tpu.memory_space<hbm>> -> memref<1x512xf32, #tpu.memory_space<hbm>>
        %dma_wait3A_63 = tpu.memref_squeeze %dma_wait3A_62 : memref<1x512xf32, #tpu.memory_space<hbm>> -> memref<512xf32, #tpu.memory_space<hbm>>
        %dma_wait3A_64 = arith.constant 0 : i32
        %dma_wait3A_65 = tpu.memref_slice %arg7[%arg0, %dma_wait3A_64] : memref<2x512xf32, #tpu.memory_space<hbm>> -> memref<1x512xf32, #tpu.memory_space<hbm>>
        %dma_wait3A_66 = tpu.memref_squeeze %dma_wait3A_65 : memref<1x512xf32, #tpu.memory_space<hbm>> -> memref<512xf32, #tpu.memory_space<hbm>>
        tpu.wait_dma2 semaphore(%run_scoped3A_56 : memref<!tpu.dma_semaphore, #tpu.memory_space<semaphore_mem>>) src(%arg14 : memref<512xf32, #tpu.memory_space<vmem>>) dst(%dma_wait3A_66 : memref<512xf32, #tpu.memory_space<hbm>>)
        tpu.yield
      }) : () -> ()
    } else {
    }
    return
  }
}

module attributes {stable_mosaic.version = 14 : i64} {
  func.func @_mlp_body(%arg0: i32, %arg1: memref<8192x256xf32, #tpu.memory_space<vmem>>, %arg2: memref<256x256xbf16, #tpu.memory_space<vmem>>, %arg3: memref<256x256xbf16, #tpu.memory_space<vmem>>, %arg4: memref<256x2xf32, #tpu.memory_space<vmem>>, %arg5: memref<1x1xf32, #tpu.memory_space<smem>>, %arg6: memref<8192xf32, #tpu.memory_space<vmem>>) attributes {dimension_semantics = [#tpu.dimension_semantics<arbitrary>], iteration_bounds = array<i64: 7>, scalar_prefetch = 0 : i64, scratch_operands = 0 : i64, tpu.core_type = #tpu.core_type<tc>, window_params = [{transform_indices = @transform_0, window_bounds = array<i64: 8192, 256>}, {pipeline_mode = #tpu.pipeline_mode<synchronous>, transform_indices = @transform_1, window_bounds = array<i64: 256, 256>}, {pipeline_mode = #tpu.pipeline_mode<synchronous>, transform_indices = @transform_2, window_bounds = array<i64: 256, 256>}, {pipeline_mode = #tpu.pipeline_mode<synchronous>, transform_indices = @transform_3, window_bounds = array<i64: 256, 2>}, {transform_indices = @transform_4, window_bounds = array<i64: 1, 1>}, {transform_indices = @transform_5, window_bounds = array<i64: 8192>}]} {
    %get3A = arith.constant 0 : index
    %get3A_0 = arith.constant 0 : index
    %get3A_1 = vector.load %arg1[%get3A, %get3A_0] : memref<8192x256xf32, #tpu.memory_space<vmem>>, vector<8192x256xf32>
    %convert_element_type3A = arith.truncf %get3A_1 : vector<8192x256xf32> to vector<8192x256xbf16>
    %get3A_2 = arith.constant 0 : index
    %get3A_3 = arith.constant 0 : index
    %get3A_4 = vector.load %arg2[%get3A_2, %get3A_3] : memref<256x256xbf16, #tpu.memory_space<vmem>>, vector<256x256xbf16>
    %dot_general3A = arith.constant dense<0.000000e+00> : vector<256x8192xf32>
    %dot_general3A_5 = tpu.matmul %get3A_4, %convert_element_type3A, %dot_general3A {dimension_numbers = #tpu.dot_dimension_numbers<[0], [1], [1], [0], [0, 1, 1, 0], [], []>, transpose_lhs_hint = false} : vector<256x256xbf16>, vector<8192x256xbf16>, vector<256x8192xf32> -> vector<256x8192xf32>
    %get3A_6 = arith.constant 0 : index
    %get3A_7 = arith.constant 0 : index
    %get3A_8 = vector.load %arg3[%get3A_6, %get3A_7] : memref<256x256xbf16, #tpu.memory_space<vmem>>, vector<256x256xbf16>
    %dot_general3A_9 = arith.constant dense<0.000000e+00> : vector<256x8192xf32>
    %dot_general3A_10 = tpu.matmul %get3A_8, %convert_element_type3A, %dot_general3A_9 {dimension_numbers = #tpu.dot_dimension_numbers<[0], [1], [1], [0], [0, 1, 1, 0], [], []>, transpose_lhs_hint = false} : vector<256x256xbf16>, vector<8192x256xbf16>, vector<256x8192xf32> -> vector<256x8192xf32>
    %add3A = arith.addf %dot_general3A_5, %dot_general3A_10 : vector<256x8192xf32>
    %get3A_11 = arith.constant 0 : index
    %get3A_12 = arith.constant 0 : index
    %get3A_13 = vector.load %arg4[%get3A_11, %get3A_12] : memref<256x2xf32, #tpu.memory_space<vmem>>, vector<256x1xf32>
    %add3A_14 = vector.broadcast %get3A_13 : vector<256x1xf32> to vector<256x8192xf32>
    %add3A_15 = arith.addf %add3A, %add3A_14 : vector<256x8192xf32>
    %max3A = arith.constant 0.000000e+00 : f32
    %max3A_16 = vector.broadcast %max3A : f32 to vector<256x8192xf32>
    %max3A_17 = arith.maximumf %add3A_15, %max3A_16 : vector<256x8192xf32>
    %get3A_18 = arith.constant 0 : index
    %get3A_19 = arith.constant 1 : index
    %get3A_20 = vector.load %arg4[%get3A_18, %get3A_19] : memref<256x2xf32, #tpu.memory_space<vmem>>, vector<256x1xf32>
    %mul3A = vector.broadcast %get3A_20 : vector<256x1xf32> to vector<256x8192xf32>
    %mul3A_21 = arith.mulf %max3A_17, %mul3A : vector<256x8192xf32>
    %reduce_sum3A = arith.constant dense<0.000000e+00> : vector<8192xf32>
    %reduce_sum3A_22 = vector.multi_reduction <add>, %mul3A_21, %reduce_sum3A [0] : vector<256x8192xf32> to vector<8192xf32>
    %get3A_23 = arith.constant 0 : index
    %get3A_24 = arith.constant 0 : index
    %get3A_25 = memref.load %arg5[%get3A_23, %get3A_24] : memref<1x1xf32, #tpu.memory_space<smem>>
    %add3A_26 = vector.broadcast %get3A_25 : f32 to vector<8192xf32>
    %add3A_27 = arith.addf %reduce_sum3A_22, %add3A_26 : vector<8192xf32>
    %swap3A = arith.constant 0 : index
    %swap3A_28 = vector.load %arg6[%swap3A] : memref<8192xf32, #tpu.memory_space<vmem>>, vector<8192xf32>
    tpu.vector_store %arg6[%swap3A], %add3A_27 {strides = array<i32>} : memref<8192xf32, #tpu.memory_space<vmem>>, vector<8192xf32>,
    return
  }
  func.func @transform_0(%arg0: i32) -> (i32, i32) {
    %c0_i32 = arith.constant 0 : i32
    %c0_i32_0 = arith.constant 0 : i32
    return %arg0, %c0_i32 : i32, i32
  }
  func.func @transform_1(%arg0: i32) -> (i32, i32) {
    %c0_i32 = arith.constant 0 : i32
    %c0_i32_0 = arith.constant 0 : i32
    %c0_i32_1 = arith.constant 0 : i32
    return %c0_i32, %c0_i32_0 : i32, i32
  }
  func.func @transform_2(%arg0: i32) -> (i32, i32) {
    %c0_i32 = arith.constant 0 : i32
    %c0_i32_0 = arith.constant 0 : i32
    %c0_i32_1 = arith.constant 0 : i32
    return %c0_i32, %c0_i32_0 : i32, i32
  }
  func.func @transform_3(%arg0: i32) -> (i32, i32) {
    %c0_i32 = arith.constant 0 : i32
    %c0_i32_0 = arith.constant 0 : i32
    %c0_i32_1 = arith.constant 0 : i32
    return %c0_i32, %c0_i32_0 : i32, i32
  }
  func.func @transform_4(%arg0: i32) -> (i32, i32) {
    %c0_i32 = arith.constant 0 : i32
    %c0_i32_0 = arith.constant 0 : i32
    %c0_i32_1 = arith.constant 0 : i32
    return %c0_i32, %c0_i32_0 : i32, i32
  }
  func.func @transform_5(%arg0: i32) -> i32 {
    %c0_i32 = arith.constant 0 : i32
    return %arg0 : i32
  }
}

</mosaic_0001>

<sc_bundles>
// kernel: kernel.4.cloned.1.call-start
scs
__scs_entry_jumppad:
0x0: {  	(pc) =	sbr.rel $0x88, $3  }
0x1: {  	(tag) =	ssettag $0x0;
	lr =	simm.s32 $0x1  }
0x2: {  	[smem:$0x3F98] =	sst lr;
	_ =	strace $0xD0000000  }
0x3: {  	_ = 	snop  }
0x4: {  	_ = 	snop  }
0x5: {  	_ = 	snop  }
0x6: {  	_ = 	snop  }
0x7: {  	_ = 	snop  }
__scs_overlays_trampoline_lowered:
0x8: {  	[smem:$0x3FA7] =	sst s0  }
0x9: {  	[smem:$0x3FA8] =	sst s1  }
0xa: {  	[smem:$0x3FA9] =	sst s2  }
0xb: {  	[smem:$0x3FAA] =	sst s3  }
0xc: {  	[smem:$0x3FAB] =	sst s4  }
0xd: {  	[smem:$0x3FAC] =	sst s5  }
0xe: {  	[smem:$0x3FAD] =	sst s6  }
0xf: {  	[smem:$0x3FAE] =	sst s7  }
0x10: {  	[smem:$0x3FAF] =	sst s8  }
0x11: {  	[smem:$0x3FB0] =	sst s9;
	s0 =	simm.s32 @!p0 $0x0  }
0x12: {  	s1 =	sld [smem:$0x3F96];
	s0 =	simm.s32 @p0 $0x1  }
0x13: {  	[smem:$0x3FB1] =	sst s0;
	s0 =	simm.s32 @!p1 $0x0  }
0x14: {  	s2 =	sld [smem:$0x3F95];
	s0 =	simm.s32 @p1 $0x1  }
0x15: {  	[smem:$0x3FB2] =	sst s0;
	s0 =	simm.s32 @!p2 $0x0  }
0x16: {  	s3 =	sld [smem:$0x3FDB];
	s0 =	simm.s32 @p2 $0x1  }
0x17: {  	s4 =	simm.s32 $0x1BF5;
	[smem:$0x3FB4] =	sst s0  }
0x18: {  	s0 =	sld [smem:$0x3F97];
	_ =	swait.ge [sflag:s4], $0x0  }
0x19: {  	s7 =	sld [smem:$0x3F98]  }
0x1a: {  	s8 =	sadd.s32 $0xFFFFE003, lr  }
0x1b: {  	s9 =	sadd.s32 $0xFFFFFEF7, lr;
	s5 =	simm.s32 $0xFFFFFFFF;
	p2 =	slt.u32 s8, $0xFFFFF086  }
0x1c: {  	p1 =	slt.u32 s9, $0xF7A;
	s5 =	simm.s32 @!p2 $0x0  }
0x1d: {  	s5 =	simm.s32 @p1 $0x1;
	p0 =	seq.s32 s7, s2  }
0x1e: {  	s7 =	smul.u32 @!p0 $0xF7A, s2;
	p2 =	seq.s32 @!p0 s5, $0x0  }
0x1f: {  	s9 =	smul.u32 $0xF7A, s1;
	s8 =	simm.s32 @!p0 $0x1BF5;
	p2 =	por !p2, p0  }
0x20: {  	[sflag:s8] =	ssyncset.s32 @!p0 $0xFFFFF086;
	s6 =	sadd.s32 @!p0 s3, s7;
	s7 =	simm.s32 @!p0 $0x108  }
0x21: {  	s3 =	sadd.s32 s3, s9;
	s6 =	sadd.s32 @!p0 $0x88, s6;
	s7 =	simm.s32 @p2 $0x1082  }
0x22: {  	[simem:s7], [sflag:s8] =	dma.local @!p0 [hbm:s6], $0xF7A  }
0x23: {  	s9 =	sor.u32 $0xD0000000, s2;
	s6 =	simm.s32 $0x108;
	_ =	swait.ge @!p0 [sflag:s8], $0x0  }
0x24: {  	s3 =	sadd.s32 $0x88, s3;
	s6 =	simm.s32 @!p1 $0x1082;
	[sflag:s4] =	ssyncset.s32 $0xFFFFF086  }
0x25: {  	[simem:s6], [sflag:s4] =	dma.local [hbm:s3], $0xF7A  }
0x26: {  	[smem:$0x3F98] =	sst s1;
	(tag) =	ssettag s2;
	_ =	strace s9  }
0x27: {  	s1 =	sld [smem:$0x3FA8]  }
0x28: {  	s2 =	sld [smem:$0x3FA9]  }
0x29: {  	s4 =	sld [smem:$0x3FAB]  }
0x2a: {  	p0 =	seq.s32 s5, $0x0;
	s5 =	sld [smem:$0x3FAC]  }
0x2b: {  	s6 =	sld [smem:$0x3FAD]  }
0x2c: {  	s7 =	sld [smem:$0x3FAE]  }
0x2d: {  	s3 =	simm.s32 $0x108;
	s8 =	sld [smem:$0x3FAF]  }
0x2e: {  	s3 =	simm.s32 @!p0 $0x1082;
	s9 =	sld [smem:$0x3FB0]  }
0x2f: {  	lr =	sadd.s32 s0, s3;
	s0 =	sld [smem:$0x3FA7]  }
0x30: {  	s3 =	sld [smem:$0x3FAA]  }
0x31: {  	[smem:$0x3FB3] =	sst s10  }
0x32: {  	s10 =	sld [smem:$0x3FB1];
	_ =	sdelay $0x3  }
0x33: {  	p0 =	seq.s32 s10, $0x1;
	s10 =	sld [smem:$0x3FB3];
	_ =	sdelay $0x3  }
0x34: {  	[smem:$0x3FB3] =	sst s10  }
0x35: {  	s10 =	sld [smem:$0x3FB2];
	_ =	sdelay $0x3  }
0x36: {  	p1 =	seq.s32 s10, $0x1;
	s10 =	sld [smem:$0x3FB3];
	_ =	sdelay $0x3  }
0x37: {  	[smem:$0x3FB3] =	sst s10  }
0x38: {  	s10 =	sld [smem:$0x3FB4]  }
0x39: {  	_ = 	snop;
	(pc) =	sbr.ind lr, $3  }
0x3a: {  	_ = 	snop  }
0x3b: {  	_ = 	snop  }
0x3c: {  	p2 =	seq.s32 s10, $0x1;
	s10 =	sld [smem:$0x3FB3]  }
0x3d: {  	_ =	shalt  }
0x3e: {  	_ =	shalt  }
0x3f: {  	_ =	shalt  }
0x40: {  	_ =	shalt  }
0x41: {  	_ =	shalt  }
0x42: {  	_ =	shalt  }
0x43: {  	_ =	shalt  }
0x44: {  	_ =	shalt  }
0x45: {  	_ =	shalt  }
0x46: {  	_ =	shalt  }
0x47: {  	_ =	shalt  }
0x48: {  	_ =	shalt  }
0x49: {  	_ =	shalt  }
0x4a: {  	_ =	shalt  }
0x4b: {  	_ =	shalt  }
0x4c: {  	_ =	shalt  }
0x4d: {  	_ =	shalt  }
0x4e: {  	_ =	shalt  }
0x4f: {  	_ =	shalt  }
0x50: {  	_ =	shalt  }
0x51: {  	_ =	shalt  }
0x52: {  	_ =	shalt  }
0x53: {  	_ =	shalt  }
0x54: {  	_ =	shalt  }
0x55: {  	_ =	shalt  }
0x56: {  	_ =	shalt  }
0x57: {  	_ =	shalt  }
0x58: {  	_ =	shalt  }
0x59: {  	_ =	shalt  }
0x5a: {  	_ =	shalt  }
0x5b: {  	_ =	shalt  }
0x5c: {  	_ =	shalt  }
0x5d: {  	_ =	shalt  }
0x5e: {  	_ =	shalt  }
0x5f: {  	_ =	shalt  }
0x60: {  	_ =	shalt  }
0x61: {  	_ =	shalt  }
0x62: {  	_ =	shalt  }
0x63: {  	_ =	shalt  }
0x64: {  	_ =	shalt  }
0x65: {  	_ =	shalt  }
0x66: {  	_ =	shalt  }
0x67: {  	_ =	shalt  }
0x68: {  	_ =	shalt  }
0x69: {  	_ =	shalt  }
0x6a: {  	_ =	shalt  }
0x6b: {  	_ =	shalt  }
0x6c: {  	_ =	shalt  }
0x6d: {  	_ =	shalt  }
0x6e: {  	_ =	shalt  }
0x6f: {  	_ =	shalt  }
0x70: {  	_ =	shalt  }
0x71: {  	_ =	shalt  }
0x72: {  	_ =	shalt  }
0x73: {  	_ =	shalt  }
0x74: {  	_ =	shalt  }
0x75: {  	_ =	shalt  }
0x76: {  	_ =	shalt  }
0x77: {  	_ =	shalt  }
0x78: {  	_ =	shalt  }
0x79: {  	_ =	shalt  }
0x7a: {  	_ =	shalt  }
0x7b: {  	_ =	shalt  }
0x7c: {  	_ =	shalt  }
0x7d: {  	_ =	shalt  }
0x7e: {  	_ =	shalt  }
0x7f: {  	_ =	shalt  }
0x80: {  	_ =	shalt  }
0x81: {  	_ =	shalt  }
0x82: {  	_ =	shalt  }
0x83: {  	_ =	shalt  }
0x84: {  	_ =	shalt  }
0x85: {  	_ =	shalt  }
0x86: {  	_ =	shalt  }
0x87: {  	_ =	shalt  }
.Lfunc_end0:
.L_simem_size_0:
called_computation_lowered:
.L_overlay_start_0:
0x88: {  	s2 =	sld [smem:$0x3FD9]  }
0x89: {  	s3 =	sld [smem:$0x3FFE];
	_ =	sdelay $0x1  }
0x8a: {  	s1 =	srdreg.scid  }
0x8b: {  	s0 =	sand.u32 $0x1, s1  }
0x8c: {  	s17 =	sshll.u32 s0, $0xA;
	s2 =	sadd.s32 s3, s2  }
0x8d: {  	s2 =	sadd.s32 s2, s17  }
0x8e: {  	[smem:$0x3FBF] =	sst s2  }
0x8f: {  	_ = 	snop  }
0x90: {  	s2 =	sld [smem:$0x3FC4]  }
0x91: {  	s18 =	sld [smem:$0x3FC3]  }
0x92: {  	s4 =	sld [smem:$0x3FC2]  }
0x93: {  	s5 =	sld [smem:$0x3FC1];
	(tm) =	ssettm $0x1  }
0x94: {  	s6 =	sld [smem:$0x3FFB];
	_ =	sdelay $0x3  }
0x95: {  	_ =	strace s6  }
0x96: {  	s6 =	sld [smem:$0x3FFC];
	_ =	sdelay $0x3  }
0x97: {  	_ =	strace s6  }
0x98: {  	s6 =	sld [smem:$0x3FFD];
	_ =	sdelay $0x3  }
0x99: {  	_ =	strace s6  }
0x9a: {  	_ =	strace $0x8FFFFFFF  }
0x9b: {  	s19 =	sld [smem:$0x3FDB];
	_ =	sdelay $0x1  }
0x9c: {  	s7 =	simm.s32 $_scs_section_size  }
0x9d: {  	s8 =	simm.s32 $_size__tile_overlayer_lowered;
	s9 =	simm.s32 $_tile_overlayer_lowered  }
0x9e: {  	s22 =	simm.s32 $0x1BFF;
	s21 =	sshll.u32 s9, $0x1;
	s6 =	sadd.s32 s7, s19  }
0x9f: {  	s10 =	simm.s32 $0x0;
	s20 =	sshll.u32 s8, $0x1;
	s8 =	sadd.s32 s21, s6  }
0xa0: {  	[timem:s10], [sflag:s22] =	dma.local [hbm:s8], s20  }
0xa1: {  	_ =	swait.ge [sflag:s22], s20  }
0xa2: {  	s7 =	ssub.s32 $0x0, s20;
	[sflag:s22] =	ssyncset.done $0x0  }
0xa3: {  	[sflag:s22] =	ssyncadd.s32 s7;
	_ =	sdelay $0x1  }
0xa4: {  	s23 =	simm.s32 $0x1B8B  }
0xa5: {  	_ =	swait.ge [sflag:s23], $0x1  }
0xa6: {  	[sflag:s23] =	ssyncset.done $0x0  }
0xa7: {  	s25 =	simm.s32 $0x1B8E;
	s24 =	sld [smem:$0x3FFE];
	[sflag:s23] =	ssyncadd.s32 $0xFFFFFFFF  }
0xa8: {  	s26 =	simm.s32 $execute0_lowered;
	[smem:$0x3FD2] =	sst s25  }
0xa9: {  	s8 =	sshll.u32 s26, $0x1;
	_ =	strace $0x80000046;
	[dreg:$0x1] =	wrdreg $0xFFFFFFFF  }
0xaa: {  	s28 =	simm.s32 $_size_execute0_lowered;
	s6 =	sadd.s32 s6, s8;
	[dreg:$0x0] =	wrdreg $0x0  }
0xab: {  	s8 =	sshll.u32 s28, $0x1;
	[dreg:$0x2] =	wrdreg s6  }
0xac: {  	[dreg:$0x3] =	wrdreg s8  }
0xad: {  	[dreg:$0x4] =	wrdreg $0xC0  }
0xae: {  	_ =	task [dreg:s10], $0x5FFFF  }
0xaf: {  	[dreg:$0x1] =	wrdreg $0xFFFFFFFF  }
0xb0: {  	[dreg:$0x0] =	wrdreg $0x60  }
0xb1: {  	[dreg:$0x2] =	wrdreg s24  }
0xb2: {  	[dreg:$0x3] =	wrdreg s4  }
0xb3: {  	[dreg:$0x4] =	wrdreg s5  }
0xb4: {  	[dreg:$0x5] =	wrdreg s2  }
0xb5: {  	[dreg:$0x6] =	wrdreg s18  }
0xb6: {  	[dreg:$0x7] =	wrdreg $0x57800  }
0xb7: {  	[dreg:$0x8] =	wrdreg $0x9  }
0xb8: {  	_ =	task.clear_ibuf [dreg:s10], $0x9FFFF;
	_ =	strace $0x90000046  }
0xb9: {  	s29 =	simm.s32 $0x9;
	_ =	strace $0x80000048  }
0xba: {  	_ =	swait.ge [sflag:s29], $0x1  }
0xbb: {  	[sflag:s29] =	ssyncadd.s32 $0xFFFFFFFF  }
0xbc: {  	_ =	strace $0x90000048  }
0xbd: {  	_ =	sfence  }
0xbe: {  	s30 =	sld [smem:$0x0];
	_ =	sdelay $0x2  }
0xbf: {  	s31 =	sshll.u32 s1, $0xD;
	s1 =	sshrl.u32 s1, $0x2  }
0xc0: {  	s3 =	sand.u32 $0x4000, s31;
	s1 =	sadd.s32 s1, s30  }
0xc1: {  	s0 =	sor.u32 s3, s0;
	s1 =	sshll.u32 s1, $0x11  }
0xc2: {  	s0 =	sor.u32 s1, s0  }
0xc3: {  	s0 =	sadd.s32 $0x8F2B, s0  }
0xc4: {  	[sflag:s0] =	ssyncadd.remote.s32 $0x1  }
0xc5: {  	_ =	sfence.sel $0xFFFF  }
0xc6: {  	[dreg:$0x0] =	wrdreg $0xFFFFFFFF;
	(pc) =	sbr.abs _section_cstart, $3  }
0xc7: {  	[dreg:$0x1] =	wrdreg $0xFFFFFFFF  }
0xc8: {  	_ =	task.clear_ibuf [dreg:s10], $0x2FFFF;
	_ =	strace $0x9FFFFFFF  }
0xc9: {  	(tm) =	ssettm $0x7FFFFFFF  }
tec
execute0_lowered:
.L_overlay_start_1:
0x0: {  	(tag) =	ssettag $0x1  }
0x1: {  	s1 =	rddreg [dreg:$0x0]  }
0x2: {  	s9 =	rddreg [dreg:$0x1]  }
0x3: {  	s10 =	rddreg [dreg:$0x2]  }
0x4: {  	s2 =	srdreg.scid;
	s0 =	rddreg [dreg:$0x3]  }
0x5: {  	s12 =	stileid.u32;
	s3 =	rddreg [dreg:$0x5]  }
0x6: {  	s4 =	simm.s32 $0x0;
	s5 =	sand.u32 $0x1, s2;
	s2 =	rddreg [dreg:$0x4]  }
0x7: {  	s30 =	simm.s32 $0x1380;
	s31 =	simm.s32 $0x1;
	[smem:$0x7FF] =	sst s4  }
0x8: {  	s25 =	sshll.u32 s12, $0x9;
	s16 =	sshll.u32 s12, $0x7;
	s17 =	sadd.s32 $0x80, s3  }
0x9: {  	s18 =	sadd.s32 $0x100, s3;
	_ =	strace $0x80000047;
	[dreg:$0x7] =	wrdreg s17  }
0xa: {  	s19 =	sadd.s32 $0x180, s3;
	s20 =	sadd.s32 $0x200, s3;
	[dreg:$0x8] =	wrdreg s18  }
0xb: {  	s21 =	sadd.s32 $0x280, s3;
	s22 =	sadd.s32 $0x300, s3;
	[dreg:$0x9] =	wrdreg s19  }
0xc: {  	s23 =	sadd.s32 $0x380, s3;
	s24 =	sadd.s32 $0x1000, s3;
	[dreg:$0xa] =	wrdreg s20  }
0xd: {  	p0 =	sne.s32 s12, $0x0;
	s28 =	sadd.s32 $0x1300, s3;
	[dreg:$0xb] =	wrdreg s21  }
0xe: {  	s29 =	sadd.s32 $0x1380, s3;
	s6 =	sshll.u32 s5, $0x4;
	[dreg:$0xc] =	wrdreg s22  }
0xf: {  	s5 =	ssub.s32 $0x2, s5;
	s26 =	sand.u32 $0x1000, s25;
	[dreg:$0xd] =	wrdreg s23  }
0x10: {  	[dreg:$0xe] =	wrdreg s24;
	s25 =	sadd.s32 $0x1080, s3;
	s22 =	sadd.s32 $0x1180, s3  }
0x11: {  	s23 =	sadd.s32 $0x1200, s3;
	s13 =	sor.u32 s12, s6;
	s11 =	sshrl.u32 s5, $0x1  }
0x12: {  	s14 =	sadd.s32 s6, s1;
	[dreg:$0xf] =	wrdreg s25;
	s12 =	simm.s32 $0x1480  }
0x13: {  	s7 =	smul.u32 $0xC4, s13;
	s15 =	ssub.s32 s5, s11;
	s11 =	sand.u32 $0x380, s16  }
0x14: {  	p1 =	seq.s32 s13, $0x1F;
	s24 =	sadd.s32 $0x2200, s14;
	s13 =	simm.s32 $0x80  }
0x15: {  	s14 =	simm.s32 $0x400;
	s16 =	simm.s32 $0x0;
	s25 =	smax.u32 s15, $0x1  }
.Ltmp0:
0x16: {  	s15 =	simm.s32 $0x3580;
	s8 =	sadd.s32 s7, s1;
	(pc) =	sbr.rel .LBB2_1-.Ltmp0, $4  }
0x17: {  	s6 =	sadd.s32 s9, s7;
	s7 =	sadd.s32 s10, s7;
	s9 =	sadd.s32 $0x17BC, s9  }
0x18: {  	s5 =	sadd.s32 $0x800, s8;
	s8 =	sadd.s32 $0x1FBC, s1;
	s1 =	sadd.s32 s26, s3  }
0x19: {  	v1 =	vlaneseq.u32;
	s10 =	sadd.s32 $0x17BC, s10;
	s26 =	sadd.s32 $0x1100, s3;
	s11 =	sadd.s32 s11, s1  }
0x1a: {  	v0 =	vimm.f32 $0.0e+00;
	v1 =	vmul.u32 $0x210, v1;
	[dreg:$0x10] =	wrdreg s26;
	s26 =	sadd.s32 $0x1280, s3;
	s1 =	simm.s32 $0x1400  }
.LBB2_10:
0x1b: {  	v3 =	vld [tilespmem:s19+$0x0];
	_ =	sdelay $0x1  }
0x1c: {  	v4 =	vld [tilespmem:s18+$0x3B80];
	_ =	sdelay $0x1  }
0x1d: {  	v5 =	vld [tilespmem:s18+$0x3D80]  }
0x1e: {  	v2 =	vadd.f32 v2, v3  }
0x1f: {  	v3 =	vld [tilespmem:s18+$0x3F80]  }
0x20: {  	v2 =	vadd.f32 v4, v2  }
0x21: {  	v56 =	vld [tilespmem:s18+$0x4180]  }
0x22: {  	v2 =	vadd.f32 v5, v2  }
0x23: {  	v57 =	vld [tilespmem:s18+$0x4380]  }
0x24: {  	v2 =	vadd.f32 v3, v2  }
0x25: {  	v3 =	vld [tilespmem:s18+$0x4580]  }
0x26: {  	v2 =	vadd.f32 v56, v2  }
0x27: {  	v58 =	vld [tilespmem:s18+$0x4780]  }
0x28: {  	v2 =	vadd.f32 v57, v2  }
0x29: {  	v59 =	vld [tilespmem:s18+$0x4980]  }
0x2a: {  	v2 =	vadd.f32 v3, v2  }
0x2b: {  	v3 =	vld [tilespmem:s18+$0x4B80]  }
0x2c: {  	v2 =	vadd.f32 v58, v2  }
0x2d: {  	v60 =	vld [tilespmem:s18+$0x4D80]  }
0x2e: {  	v2 =	vadd.f32 v59, v2  }
0x2f: {  	v61 =	vld [tilespmem:s18+$0x4F80]  }
0x30: {  	v2 =	vadd.f32 v3, v2  }
0x31: {  	v3 =	vld [tilespmem:s18+$0x5180]  }
0x32: {  	v2 =	vadd.f32 v60, v2  }
0x33: {  	v62 =	vld [tilespmem:s18+$0x5380]  }
0x34: {  	v2 =	vadd.f32 v61, v2  }
0x35: {  	v63 =	vld [tilespmem:s18+$0x5580]  }
0x36: {  	v2 =	vadd.f32 v3, v2;
	_ =	sdelay $0x1  }
0x37: {  	v2 =	vadd.f32 v62, v2;
	_ =	sdelay $0x1  }
0x38: {  	v2 =	vadd.f32 v63, v2  }
0x39: {  	s17 =	sadd.s32 $0x10, s17  }
0x3a: {  	s21 =	simm.s32 $0x100;
	[tilespmem:s17+$0x0] =	vst v2  }
0x3b: {  	[hbm4b:s24+s13] =	stream.strided.scatter [tilespmem:s15], [sflag:$0x1], $0x200, s21, s13, $0x38;
	[tilespmem:$0x5980] =	vst v63  }
0x3c: {  	_ =	swait.ge [sflag:s31], $0x200  }
0x3d: {  	[sflag:s31] =	ssyncset.done $0x0  }
0x3e: {  	[sflag:s31] =	ssyncadd.s32 $0xFFFFFE00  }
.LBB2_11:
0x3f: {  	s16 =	sadd.s32 $0x1, s16  }
0x40: {  	p2 =	sne.s32 s16, s25  }
.Ltmp1:
0x41: {  	_ = 	snop;
	(pc) =	sbr.rel @!p2 .LBB2_12-.Ltmp1, $1  }
0x42: {  	_ =	sdelay $0x3  }
.LBB2_1:
0x43: {  	s17 =	simm.s32 @p1 $0x0;
	s18 =	simm.s32 @p1 $0x1  }
0x44: {  	[tilespmem:s17], [sflag:$0x1] =	stream.linear.gather @p1 [hbm4b:s8+s17], $0x570, $0x38;
	[tilespmem:$0x5980] =	vst v63  }
0x45: {  	_ =	swait.ge @p1 [sflag:s18], $0x570  }
0x46: {  	[sflag:s18] =	ssyncset.done @p1 $0x0  }
0x47: {  	s19 =	simm.s32 @p1 $0x680;
	[sflag:s18] =	ssyncadd.s32 @p1 $0xFFFFFA90  }
0x48: {  	[tilespmem:s19], [sflag:$0x1] =	stream.linear.gather @p1 [hbm4b:s9+s17], $0x570, $0x38;
	[tilespmem:$0x5980] =	vst v63  }
0x49: {  	_ =	swait.ge @p1 [sflag:s18], $0x570  }
0x4a: {  	[sflag:s18] =	ssyncset.done @p1 $0x0  }
0x4b: {  	s19 =	simm.s32 @p1 $0xD00;
	[sflag:s18] =	ssyncadd.s32 @p1 $0xFFFFFA90  }
0x4c: {  	[tilespmem:s19], [sflag:$0x1] =	stream.linear.gather @p1 [hbm4b:s10+s17], $0x570, $0x38;
	[tilespmem:$0x5980] =	vst v63  }
0x4d: {  	_ =	swait.ge @p1 [sflag:s18], $0x570  }
0x4e: {  	[sflag:s18] =	ssyncset.done @p1 $0x0  }
0x4f: {  	v2 =	vimm.f32 @p1 $0.0e+00;
	[sflag:s18] =	ssyncadd.s32 @p1 $0xFFFFFA90  }
0x50: {  	v3 =	vimm.s32 @p1 $0x0;
	[tilespmem:$0x570] =	vst @p1 v2  }
0x51: {  	v4 =	vimm.s32 @p1 $0x200;
	[tilespmem:$0xBF0] =	vst @p1 v3  }
0x52: {  	[tilespmem:$0x1270] =	vst @p1 v4  }
0x53: {  	[tilespmem:$0x580] =	vst @p1 v2  }
0x54: {  	[tilespmem:$0xC00] =	vst @p1 v3  }
0x55: {  	[tilespmem:$0x1280] =	vst @p1 v4  }
0x56: {  	[tilespmem:$0x590] =	vst @p1 v2  }
0x57: {  	[tilespmem:$0xC10] =	vst @p1 v3  }
0x58: {  	[tilespmem:$0x1290] =	vst @p1 v4  }
0x59: {  	[tilespmem:$0x5A0] =	vst @p1 v2  }
0x5a: {  	[tilespmem:$0xC20] =	vst @p1 v3  }
0x5b: {  	[tilespmem:$0x12A0] =	vst @p1 v4  }
0x5c: {  	[tilespmem:$0x5B0] =	vst @p1 v2  }
0x5d: {  	[tilespmem:$0xC30] =	vst @p1 v3  }
0x5e: {  	[tilespmem:$0x12B0] =	vst @p1 v4  }
0x5f: {  	[tilespmem:$0x5C0] =	vst @p1 v2  }
0x60: {  	[tilespmem:$0xC40] =	vst @p1 v3  }
0x61: {  	[tilespmem:$0x12C0] =	vst @p1 v4  }
0x62: {  	[tilespmem:$0x5D0] =	vst @p1 v2  }
0x63: {  	[tilespmem:$0xC50] =	vst @p1 v3  }
0x64: {  	[tilespmem:$0x12D0] =	vst @p1 v4  }
0x65: {  	[tilespmem:$0x5E0] =	vst @p1 v2  }
0x66: {  	[tilespmem:$0xC60] =	vst @p1 v3  }
0x67: {  	[tilespmem:$0x12E0] =	vst @p1 v4  }
0x68: {  	[tilespmem:$0x5F0] =	vst @p1 v2  }
0x69: {  	[tilespmem:$0xC70] =	vst @p1 v3  }
0x6a: {  	[tilespmem:$0x12F0] =	vst @p1 v4  }
0x6b: {  	[tilespmem:$0x600] =	vst @p1 v2  }
0x6c: {  	[tilespmem:$0xC80] =	vst @p1 v3  }
0x6d: {  	[tilespmem:$0x1300] =	vst @p1 v4  }
0x6e: {  	[tilespmem:$0x610] =	vst @p1 v2  }
0x6f: {  	[tilespmem:$0xC90] =	vst @p1 v3  }
0x70: {  	s17 =	simm.s32 @!p1 $0x0;
	s18 =	simm.s32 @!p1 $0x1;
	[tilespmem:$0x1310] =	vst @p1 v4  }
0x71: {  	[tilespmem:s17], [sflag:$0x1] =	stream.linear.gather @!p1 [hbm4b:s5+s17], $0x620, $0x38;
	[tilespmem:$0x5980] =	vst v63  }
0x72: {  	_ =	swait.ge @!p1 [sflag:s18], $0x620  }
0x73: {  	[sflag:s18] =	ssyncset.done @!p1 $0x0  }
0x74: {  	s19 =	simm.s32 @!p1 $0x680;
	[sflag:s18] =	ssyncadd.s32 @!p1 $0xFFFFF9E0  }
0x75: {  	[tilespmem:s19], [sflag:$0x1] =	stream.linear.gather @!p1 [hbm4b:s6+s17], $0x620, $0x38;
	[tilespmem:$0x5980] =	vst v63  }
0x76: {  	_ =	swait.ge @!p1 [sflag:s18], $0x620  }
0x77: {  	[sflag:s18] =	ssyncset.done @!p1 $0x0  }
0x78: {  	s19 =	simm.s32 @!p1 $0xD00;
	[sflag:s18] =	ssyncadd.s32 @!p1 $0xFFFFF9E0  }
0x79: {  	[tilespmem:s19], [sflag:$0x1] =	stream.linear.gather @!p1 [hbm4b:s7+s17], $0x620, $0x38;
	[tilespmem:$0x5980] =	vst v63  }
0x7a: {  	_ =	swait.ge @!p1 [sflag:s18], $0x620  }
0x7b: {  	[sflag:s18] =	ssyncset.done @!p1 $0x0  }
0x7c: {  	[sflag:s18] =	ssyncadd.s32 @!p1 $0xFFFFF9E0  }
0x7d: {  	[tilespmem:s30], [sflag:$0x1] =	stream.linear.gather [hbm4b:s0+s4], $0x64, $0x38;
	[tilespmem:$0x5980] =	vst v63  }
0x7e: {  	_ =	swait.ge [sflag:s31], $0x64  }
0x7f: {  	[sflag:s31] =	ssyncset.done $0x0  }
0x80: {  	[sflag:s31] =	ssyncadd.s32 $0xFFFFFF9C  }
0x81: {  	[tilespmem:s1], [sflag:$0x1] =	stream.linear.gather [hbm4b:s2+s4], $0x64, $0x38;
	[tilespmem:$0x5980] =	vst v63  }
0x82: {  	_ =	swait.ge [sflag:s31], $0x64  }
0x83: {  	[sflag:s31] =	ssyncset.done $0x0  }
0x84: {  	s17 =	simm.s32 $0x200;
	s18 =	simm.s32 $0x0;
	[sflag:s31] =	ssyncadd.s32 $0xFFFFFF9C  }
.LBB2_2:
0x85: {  	p2 =	sne.s32 s17, $0x8200;
	[tilespmem:s18+$0x14F0] =	vst v0  }
0x86: {  	[tilespmem:s18+$0x1480] =	vst v0  }
0x87: {  	[tilespmem:s18+$0x1490] =	vst v0  }
.Ltmp2:
0x88: {  	[tilespmem:s18+$0x14A0] =	vst v0;
	(pc) =	sbr.rel @p2 .LBB2_2-.Ltmp2, $4  }
0x89: {  	[tilespmem:s18+$0x14B0] =	vst v0  }
0x8a: {  	[tilespmem:s18+$0x14C0] =	vst v0  }
0x8b: {  	[tilespmem:s18+$0x14D0] =	vst v0  }
0x8c: {  	[tilespmem:s18+$0x14E0] =	vst v0;
	s18 =	sshra.s32 s17, $0x2;
	s17 =	sadd.s32 $0x200, s17  }
0x8d: {  	[tilespmem:s18+$0x14F0] =	vst v0  }
0x8e: {  	[tilespmem:s18+$0x1480] =	vst v0  }
0x8f: {  	[tilespmem:s18+$0x1490] =	vst v0  }
0x90: {  	[tilespmem:s18+$0x14A0] =	vst v0  }
0x91: {  	[tilespmem:s18+$0x14B0] =	vst v0  }
0x92: {  	[tilespmem:s18+$0x14C0] =	vst v0  }
0x93: {  	[tilespmem:s18+$0x14D0] =	vst v0  }
0x94: {  	s17 =	simm.s32 $0x0;
	[tilespmem:s18+$0x14E0] =	vst v0;
	s18 =	simm.s32 $0x0  }
.LBB2_4:
0x95: {  	s19 =	sshra.s32 s18, $0x2  }
0x96: {  	v2 =	vld [tilespmem:s19+$0x680];
	_ =	sdelay $0x5  }
0x97: {  	v3 =	vld [tilespmem:s19+$0x0]  }
0x98: {  	v4 =	vld [tilespmem:s19+$0xD00]  }
0x99: {  	v5 =	vld.idx.msk [tilespmem:v2+s30+$0x0], $0xffff;
	_ =	sdelay $0x1  }
0x9a: {  	v2 =	vld.idx.msk [tilespmem:v2+s1+$0x0], $0xffff;
	_ =	sdelay $0x1  }
0x9b: {  	v4 =	vadd.s32 v1, v4  }
0x9c: {  	v3 =	vmul.f32 v5, v3;
	_ =	sdelay $0x1  }
0x9d: {  	v2 =	vadd.f32 v2, v3;
	_ =	sdelay $0x1  }
0x9e: {  	[tilespmem:v4+s12+$0x0] =	vst.idx.add.f32.msk $0xffff, v2  }
0x9f: {  	v2 =	vld [tilespmem:s19+$0x690];
	_ =	sdelay $0x5  }
0xa0: {  	v3 =	vld [tilespmem:s19+$0x10]  }
0xa1: {  	v4 =	vld [tilespmem:s19+$0xD10]  }
0xa2: {  	v58 =	vld.idx.msk [tilespmem:v2+s30+$0x0], $0xffff;
	_ =	sdelay $0x1  }
0xa3: {  	v2 =	vld.idx.msk [tilespmem:v2+s1+$0x0], $0xffff;
	_ =	sdelay $0x1  }
0xa4: {  	v4 =	vadd.s32 v1, v4  }
0xa5: {  	v3 =	vmul.f32 v58, v3;
	_ =	sdelay $0x1  }
0xa6: {  	v2 =	vadd.f32 v2, v3;
	_ =	sdelay $0x1  }
0xa7: {  	[tilespmem:v4+s12+$0x0] =	vst.idx.add.f32.msk $0xffff, v2  }
0xa8: {  	v2 =	vld [tilespmem:s19+$0x6A0];
	_ =	sdelay $0x5  }
0xa9: {  	v3 =	vld [tilespmem:s19+$0x20]  }
0xaa: {  	v4 =	vld [tilespmem:s19+$0xD20]  }
0xab: {  	v59 =	vld.idx.msk [tilespmem:v2+s30+$0x0], $0xffff;
	_ =	sdelay $0x1  }
0xac: {  	v2 =	vld.idx.msk [tilespmem:v2+s1+$0x0], $0xffff;
	_ =	sdelay $0x1  }
0xad: {  	v4 =	vadd.s32 v1, v4  }
0xae: {  	v3 =	vmul.f32 v59, v3;
	_ =	sdelay $0x1  }
0xaf: {  	v2 =	vadd.f32 v2, v3;
	_ =	sdelay $0x1  }
0xb0: {  	[tilespmem:v4+s12+$0x0] =	vst.idx.add.f32.msk $0xffff, v2  }
0xb1: {  	v2 =	vld [tilespmem:s19+$0x6B0];
	_ =	sdelay $0x5  }
0xb2: {  	v3 =	vld [tilespmem:s19+$0x30]  }
0xb3: {  	v4 =	vld [tilespmem:s19+$0xD30]  }
0xb4: {  	v60 =	vld.idx.msk [tilespmem:v2+s30+$0x0], $0xffff;
	_ =	sdelay $0x1  }
0xb5: {  	v2 =	vld.idx.msk [tilespmem:v2+s1+$0x0], $0xffff;
	_ =	sdelay $0x1  }
0xb6: {  	v4 =	vadd.s32 v1, v4  }
0xb7: {  	v3 =	vmul.f32 v60, v3;
	_ =	sdelay $0x1  }
0xb8: {  	v2 =	vadd.f32 v2, v3;
	_ =	sdelay $0x1  }
0xb9: {  	[tilespmem:v4+s12+$0x0] =	vst.idx.add.f32.msk $0xffff, v2  }
0xba: {  	v2 =	vld [tilespmem:s19+$0x6C0];
	_ =	sdelay $0x5  }
0xbb: {  	v3 =	vld [tilespmem:s19+$0x40]  }
0xbc: {  	v4 =	vld [tilespmem:s19+$0xD40]  }
0xbd: {  	v61 =	vld.idx.msk [tilespmem:v2+s30+$0x0], $0xffff;
	_ =	sdelay $0x1  }
0xbe: {  	v2 =	vld.idx.msk [tilespmem:v2+s1+$0x0], $0xffff;
	_ =	sdelay $0x1  }
0xbf: {  	v4 =	vadd.s32 v1, v4  }
0xc0: {  	v3 =	vmul.f32 v61, v3;
	_ =	sdelay $0x1  }
0xc1: {  	v2 =	vadd.f32 v2, v3;
	_ =	sdelay $0x1  }
0xc2: {  	[tilespmem:v4+s12+$0x0] =	vst.idx.add.f32.msk $0xffff, v2  }
0xc3: {  	v2 =	vld [tilespmem:s19+$0x6D0];
	_ =	sdelay $0x5  }
0xc4: {  	v3 =	vld [tilespmem:s19+$0x50]  }
0xc5: {  	v4 =	vld [tilespmem:s19+$0xD50]  }
0xc6: {  	v62 =	vld.idx.msk [tilespmem:v2+s30+$0x0], $0xffff;
	_ =	sdelay $0x1  }
0xc7: {  	v2 =	vld.idx.msk [tilespmem:v2+s1+$0x0], $0xffff;
	_ =	sdelay $0x1  }
0xc8: {  	v4 =	vadd.s32 v1, v4  }
0xc9: {  	v3 =	vmul.f32 v62, v3;
	_ =	sdelay $0x1  }
0xca: {  	v2 =	vadd.f32 v2, v3;
	_ =	sdelay $0x1  }
0xcb: {  	[tilespmem:v4+s12+$0x0] =	vst.idx.add.f32.msk $0xffff, v2  }
0xcc: {  	v2 =	vld [tilespmem:s19+$0x6E0];
	_ =	sdelay $0x5  }
0xcd: {  	v3 =	vld [tilespmem:s19+$0x60]  }
0xce: {  	v4 =	vld [tilespmem:s19+$0xD60]  }
0xcf: {  	v63 =	vld.idx.msk [tilespmem:v2+s30+$0x0], $0xffff;
	_ =	sdelay $0x1  }
0xd0: {  	v2 =	vld.idx.msk [tilespmem:v2+s1+$0x0], $0xffff;
	_ =	sdelay $0x1  }
0xd1: {  	p2 =	sne.s32 s18, $0x16C0;
	v4 =	vadd.s32 v1, v4  }
.Ltmp3:
0xd2: {  	v3 =	vmul.f32 v63, v3;
	(pc) =	sbr.rel @p2 .LBB2_4-.Ltmp3, $3  }
0xd3: {  	_ = 	snop  }
0xd4: {  	v2 =	vadd.f32 v2, v3;
	_ =	sdelay $0x1  }
0xd5: {  	s18 =	sadd.s32 $0x1C0, s18;
	[tilespmem:v4+s12+$0x0] =	vst.idx.add.f32.msk $0xffff, v2  }
0xd6: {  	s18 =	simm.s32 $0x2710  }
0xd7: {  	v2 =	vld [tilespmem:s18+$0xFFFFEF80]  }
0xd8: {  	v3 =	vld [tilespmem:s18+$0xFFFFED70];
	_ =	sdelay $0x1  }
0xd9: {  	v4 =	vld [tilespmem:s18+$0xFFFFF190];
	_ =	sdelay $0x1  }
0xda: {  	v5 =	vld [tilespmem:s18+$0xFFFFF3A0]  }
0xdb: {  	v2 =	vadd.f32 v2, v3  }
0xdc: {  	v3 =	vld [tilespmem:s18+$0xFFFFF5B0]  }
0xdd: {  	v2 =	vadd.f32 v4, v2  }
0xde: {  	v4 =	vld [tilespmem:s18+$0xFFFFF7C0]  }
0xdf: {  	v2 =	vadd.f32 v5, v2  }
0xe0: {  	v5 =	vld [tilespmem:s18+$0xFFFFF9D0]  }
0xe1: {  	v2 =	vadd.f32 v3, v2  }
0xe2: {  	v3 =	vld [tilespmem:s18+$0xFFFFFBE0]  }
0xe3: {  	s17 =	sand.u32 $0x1F0, s17;
	v2 =	vadd.f32 v4, v2  }
0xe4: {  	v4 =	vld [tilespmem:s17+$0x2500]  }
0xe5: {  	v2 =	vadd.f32 v5, v2  }
0xe6: {  	v5 =	vld [tilespmem:s18+$0x0]  }
0xe7: {  	v2 =	vadd.f32 v3, v2  }
0xe8: {  	v3 =	vld [tilespmem:s18+$0x210]  }
0xe9: {  	v2 =	vadd.f32 v4, v2  }
0xea: {  	v4 =	vld [tilespmem:s18+$0x420]  }
0xeb: {  	v2 =	vadd.f32 v5, v2  }
0xec: {  	v5 =	vld [tilespmem:s18+$0x630]  }
0xed: {  	v2 =	vadd.f32 v3, v2  }
0xee: {  	v3 =	vld [tilespmem:s18+$0x840]  }
0xef: {  	v2 =	vadd.f32 v4, v2  }
0xf0: {  	v4 =	vld [tilespmem:s18+$0xA50]  }
0xf1: {  	v2 =	vadd.f32 v5, v2  }
0xf2: {  	v5 =	vld [tilespmem:s18+$0xC60]  }
0xf3: {  	v2 =	vadd.f32 v3, v2;
	_ =	sdelay $0x1  }
0xf4: {  	v2 =	vadd.f32 v4, v2;
	_ =	sdelay $0x1  }
0xf5: {  	v2 =	vadd.f32 v5, v2  }
0xf6: {  	s17 =	simm.s32 $0x3580  }
0xf7: {  	s18 =	simm.s32 $0x2720;
	[tilespmem:s17+$0x0] =	vst v2  }
0xf8: {  	v2 =	vld [tilespmem:s18+$0xFFFFEF80]  }
0xf9: {  	s19 =	simm.s32 $0x10;
	s20 =	simm.s32 $0x20;
	v3 =	vld [tilespmem:s18+$0xFFFFED70]  }
.LBB2_6:
0xfa: {  	p2 =	sne.s32 s20, $0x1F0  }
0xfb: {  	v4 =	vld [tilespmem:s18+$0xFFFFF190];
	_ =	sdelay $0x1  }
0xfc: {  	v5 =	vld [tilespmem:s18+$0xFFFFF3A0]  }
0xfd: {  	v2 =	vadd.f32 v2, v3  }
0xfe: {  	v3 =	vld [tilespmem:s18+$0xFFFFF5B0]  }
0xff: {  	v2 =	vadd.f32 v4, v2  }
0x100: {  	v4 =	vld [tilespmem:s18+$0xFFFFF7C0]  }
0x101: {  	v2 =	vadd.f32 v5, v2  }
0x102: {  	v5 =	vld [tilespmem:s18+$0xFFFFF9D0]  }
0x103: {  	v2 =	vadd.f32 v3, v2  }
0x104: {  	v3 =	vld [tilespmem:s18+$0xFFFFFBE0]  }
0x105: {  	s21 =	sand.u32 $0x1F0, s19;
	s19 =	smov.u32 s20;
	v2 =	vadd.f32 v4, v2  }
0x106: {  	v4 =	vld [tilespmem:s21+$0x2500]  }
0x107: {  	v2 =	vadd.f32 v5, v2  }
0x108: {  	v5 =	vld [tilespmem:s18+$0x0]  }
0x109: {  	v2 =	vadd.f32 v3, v2  }
0x10a: {  	v3 =	vld [tilespmem:s18+$0x210]  }
0x10b: {  	v2 =	vadd.f32 v4, v2  }
0x10c: {  	v4 =	vld [tilespmem:s18+$0x420]  }
0x10d: {  	v2 =	vadd.f32 v5, v2  }
0x10e: {  	v5 =	vld [tilespmem:s18+$0x630]  }
0x10f: {  	v2 =	vadd.f32 v3, v2  }
0x110: {  	v3 =	vld [tilespmem:s18+$0x840]  }
0x111: {  	v2 =	vadd.f32 v4, v2  }
0x112: {  	v4 =	vld [tilespmem:s18+$0xA50]  }
0x113: {  	v2 =	vadd.f32 v5, v2  }
0x114: {  	v5 =	vld [tilespmem:s18+$0xC60]  }
0x115: {  	v2 =	vadd.f32 v3, v2;
	_ =	sdelay $0x1  }
0x116: {  	v2 =	vadd.f32 v4, v2;
	_ =	sdelay $0x1  }
.Ltmp4:
0x117: {  	v2 =	vadd.f32 v5, v2;
	(pc) =	sbr.rel @p2 .LBB2_6-.Ltmp4, $4  }
0x118: {  	s17 =	sadd.s32 $0x10, s17  }
0x119: {  	s18 =	sadd.s32 $0x10, s18;
	[tilespmem:s17+$0x0] =	vst v2  }
0x11a: {  	v2 =	vld [tilespmem:s18+$0xFFFFEF80]  }
0x11b: {  	s20 =	sadd.s32 $0x10, s20;
	v3 =	vld [tilespmem:s18+$0xFFFFED70]  }
0x11c: {  	_ = 	snop  }
0x11d: {  	v4 =	vld [tilespmem:s18+$0xFFFFF190];
	_ =	sdelay $0x1  }
0x11e: {  	v5 =	vld [tilespmem:s18+$0xFFFFF3A0]  }
0x11f: {  	v2 =	vadd.f32 v2, v3  }
0x120: {  	v3 =	vld [tilespmem:s18+$0xFFFFF5B0]  }
0x121: {  	v2 =	vadd.f32 v4, v2  }
0x122: {  	v56 =	vld [tilespmem:s18+$0xFFFFF7C0]  }
0x123: {  	v2 =	vadd.f32 v5, v2  }
0x124: {  	v57 =	vld [tilespmem:s18+$0xFFFFF9D0]  }
0x125: {  	v2 =	vadd.f32 v3, v2  }
0x126: {  	v3 =	vld [tilespmem:s18+$0xFFFFFBE0]  }
0x127: {  	s19 =	sand.u32 $0x1F0, s19;
	v2 =	vadd.f32 v56, v2  }
0x128: {  	v58 =	vld [tilespmem:s19+$0x2500]  }
0x129: {  	v2 =	vadd.f32 v57, v2  }
0x12a: {  	v59 =	vld [tilespmem:s18+$0x0]  }
0x12b: {  	v2 =	vadd.f32 v3, v2  }
0x12c: {  	v3 =	vld [tilespmem:s18+$0x210]  }
0x12d: {  	v2 =	vadd.f32 v58, v2  }
0x12e: {  	v60 =	vld [tilespmem:s18+$0x420]  }
0x12f: {  	v2 =	vadd.f32 v59, v2  }
0x130: {  	v61 =	vld [tilespmem:s18+$0x630]  }
0x131: {  	v2 =	vadd.f32 v3, v2  }
0x132: {  	v3 =	vld [tilespmem:s18+$0x840]  }
0x133: {  	v2 =	vadd.f32 v60, v2  }
0x134: {  	v62 =	vld [tilespmem:s18+$0xA50]  }
0x135: {  	v2 =	vadd.f32 v61, v2  }
0x136: {  	v63 =	vld [tilespmem:s18+$0xC60]  }
0x137: {  	v2 =	vadd.f32 v3, v2;
	_ =	sdelay $0x1  }
0x138: {  	v2 =	vadd.f32 v62, v2;
	_ =	sdelay $0x1  }
0x139: {  	v2 =	vadd.f32 v63, v2  }
0x13a: {  	s17 =	sadd.s32 $0x10, s17  }
0x13b: {  	[tilespmem:s17+$0x0] =	vst v2  }
0x13c: {  	[spmem:s11] =	stream.strided.scatter [tilespmem:s15], [sflag:$0x1], $0x200, s14, s13, $0x38;
	[tilespmem:$0x5980] =	vst v63  }
.Ltmp5:
0x13d: {  	_ =	swait.ge [sflag:s31], $0x200;
	(pc) =	sbr.rel @p0 .LBB2_11-.Ltmp5, $3  }
0x13e: {  	[sflag:s31] =	ssyncset.done $0x0  }
0x13f: {  	[sflag:s31] =	ssyncadd.s32 $0xFFFFFE00  }
0x140: {  	[bflag:$0x0] =	sbarrier.arrive $0xFFFF;
	_ =	sdelay $0x1  }
0x141: {  	s17 =	simm.s32 $0x3780  }
0x142: {  	[tilespmem:s17], [sflag:$0x1] =	stream.strided.gather [spmem:s3], $0x200, s14, s13, $0x38;
	[tilespmem:$0x5980] =	vst v63  }
0x143: {  	_ =	swait.ge [sflag:s31], $0x200  }
0x144: {  	[sflag:s31] =	ssyncset.done $0x0  }
0x145: {  	s19 =	simm.s32 $0x3980;
	s18 =	rddreg [dreg:$0x7];
	[sflag:s31] =	ssyncadd.s32 $0xFFFFFE00  }
0x146: {  	[tilespmem:s19], [sflag:$0x1] =	stream.strided.gather [spmem:s18], $0x200, s14, s13, $0x38;
	[tilespmem:$0x5980] =	vst v63  }
0x147: {  	_ =	swait.ge [sflag:s31], $0x200  }
0x148: {  	[sflag:s31] =	ssyncset.done $0x0  }
0x149: {  	s21 =	simm.s32 $0x3B80;
	s20 =	rddreg [dreg:$0x8];
	[sflag:s31] =	ssyncadd.s32 $0xFFFFFE00  }
0x14a: {  	[tilespmem:s21], [sflag:$0x1] =	stream.strided.gather [spmem:s20], $0x200, s14, s13, $0x38;
	[tilespmem:$0x5980] =	vst v63  }
0x14b: {  	_ =	swait.ge [sflag:s31], $0x200  }
0x14c: {  	[sflag:s31] =	ssyncset.done $0x0  }
0x14d: {  	s21 =	simm.s32 $0x3D80;
	s20 =	rddreg [dreg:$0x9];
	[sflag:s31] =	ssyncadd.s32 $0xFFFFFE00  }
0x14e: {  	[tilespmem:s21], [sflag:$0x1] =	stream.strided.gather [spmem:s20], $0x200, s14, s13, $0x38;
	[tilespmem:$0x5980] =	vst v63  }
0x14f: {  	_ =	swait.ge [sflag:s31], $0x200  }
0x150: {  	[sflag:s31] =	ssyncset.done $0x0  }
0x151: {  	s21 =	simm.s32 $0x3F80;
	s20 =	rddreg [dreg:$0xa];
	[sflag:s31] =	ssyncadd.s32 $0xFFFFFE00  }
0x152: {  	[tilespmem:s21], [sflag:$0x1] =	stream.strided.gather [spmem:s20], $0x200, s14, s13, $0x38;
	[tilespmem:$0x5980] =	vst v63  }
0x153: {  	_ =	swait.ge [sflag:s31], $0x200  }
0x154: {  	[sflag:s31] =	ssyncset.done $0x0  }
0x155: {  	s21 =	simm.s32 $0x4180;
	s20 =	rddreg [dreg:$0xb];
	[sflag:s31] =	ssyncadd.s32 $0xFFFFFE00  }
0x156: {  	[tilespmem:s21], [sflag:$0x1] =	stream.strided.gather [spmem:s20], $0x200, s14, s13, $0x38;
	[tilespmem:$0x5980] =	vst v63  }
0x157: {  	_ =	swait.ge [sflag:s31], $0x200  }
0x158: {  	[sflag:s31] =	ssyncset.done $0x0  }
0x159: {  	s21 =	simm.s32 $0x4380;
	s20 =	rddreg [dreg:$0xc];
	[sflag:s31] =	ssyncadd.s32 $0xFFFFFE00  }
0x15a: {  	[tilespmem:s21], [sflag:$0x1] =	stream.strided.gather [spmem:s20], $0x200, s14, s13, $0x38;
	[tilespmem:$0x5980] =	vst v63  }
0x15b: {  	_ =	swait.ge [sflag:s31], $0x200  }
0x15c: {  	[sflag:s31] =	ssyncset.done $0x0  }
0x15d: {  	s21 =	simm.s32 $0x4580;
	s20 =	rddreg [dreg:$0xd];
	[sflag:s31] =	ssyncadd.s32 $0xFFFFFE00  }
0x15e: {  	[tilespmem:s21], [sflag:$0x1] =	stream.strided.gather [spmem:s20], $0x200, s14, s13, $0x38;
	[tilespmem:$0x5980] =	vst v63  }
0x15f: {  	_ =	swait.ge [sflag:s31], $0x200  }
0x160: {  	[sflag:s31] =	ssyncset.done $0x0  }
0x161: {  	s21 =	simm.s32 $0x4780;
	s20 =	rddreg [dreg:$0xe];
	[sflag:s31] =	ssyncadd.s32 $0xFFFFFE00  }
0x162: {  	[tilespmem:s21], [sflag:$0x1] =	stream.strided.gather [spmem:s20], $0x200, s14, s13, $0x38;
	[tilespmem:$0x5980] =	vst v63  }
0x163: {  	_ =	swait.ge [sflag:s31], $0x200  }
0x164: {  	[sflag:s31] =	ssyncset.done $0x0  }
0x165: {  	s21 =	simm.s32 $0x4980;
	s20 =	rddreg [dreg:$0xf];
	[sflag:s31] =	ssyncadd.s32 $0xFFFFFE00  }
0x166: {  	[tilespmem:s21], [sflag:$0x1] =	stream.strided.gather [spmem:s20], $0x200, s14, s13, $0x38;
	[tilespmem:$0x5980] =	vst v63  }
0x167: {  	_ =	swait.ge [sflag:s31], $0x200  }
0x168: {  	[sflag:s31] =	ssyncset.done $0x0  }
0x169: {  	s20 =	simm.s32 $0x4B80;
	s19 =	rddreg [dreg:$0x10];
	[sflag:s31] =	ssyncadd.s32 $0xFFFFFE00  }
0x16a: {  	[tilespmem:s20], [sflag:$0x1] =	stream.strided.gather [spmem:s19], $0x200, s14, s13, $0x38;
	[tilespmem:$0x5980] =	vst v63  }
0x16b: {  	_ =	swait.ge [sflag:s31], $0x200  }
0x16c: {  	[sflag:s31] =	ssyncset.done $0x0  }
0x16d: {  	s21 =	simm.s32 $0x4D80;
	[sflag:s31] =	ssyncadd.s32 $0xFFFFFE00  }
0x16e: {  	[tilespmem:s21], [sflag:$0x1] =	stream.strided.gather [spmem:s22], $0x200, s14, s13, $0x38;
	[tilespmem:$0x5980] =	vst v63  }
0x16f: {  	_ =	swait.ge [sflag:s31], $0x200  }
0x170: {  	[sflag:s31] =	ssyncset.done $0x0  }
0x171: {  	s19 =	simm.s32 $0x4F80;
	[sflag:s31] =	ssyncadd.s32 $0xFFFFFE00  }
0x172: {  	[tilespmem:s19], [sflag:$0x1] =	stream.strided.gather [spmem:s23], $0x200, s14, s13, $0x38;
	[tilespmem:$0x5980] =	vst v63  }
0x173: {  	_ =	swait.ge [sflag:s31], $0x200  }
0x174: {  	[sflag:s31] =	ssyncset.done $0x0  }
0x175: {  	s20 =	simm.s32 $0x5180;
	[sflag:s31] =	ssyncadd.s32 $0xFFFFFE00  }
0x176: {  	[tilespmem:s20], [sflag:$0x1] =	stream.strided.gather [spmem:s26], $0x200, s14, s13, $0x38;
	[tilespmem:$0x5980] =	vst v63  }
0x177: {  	_ =	swait.ge [sflag:s31], $0x200  }
0x178: {  	[sflag:s31] =	ssyncset.done $0x0  }
0x179: {  	s21 =	simm.s32 $0x5380;
	[sflag:s31] =	ssyncadd.s32 $0xFFFFFE00  }
0x17a: {  	[tilespmem:s21], [sflag:$0x1] =	stream.strided.gather [spmem:s28], $0x200, s14, s13, $0x38;
	[tilespmem:$0x5980] =	vst v63  }
0x17b: {  	_ =	swait.ge [sflag:s31], $0x200  }
0x17c: {  	[sflag:s31] =	ssyncset.done $0x0  }
0x17d: {  	s19 =	simm.s32 $0x5580;
	[sflag:s31] =	ssyncadd.s32 $0xFFFFFE00  }
0x17e: {  	[tilespmem:s19], [sflag:$0x1] =	stream.strided.gather [spmem:s29], $0x200, s14, s13, $0x38;
	[tilespmem:$0x5980] =	vst v63  }
0x17f: {  	_ =	swait.ge [sflag:s31], $0x200  }
0x180: {  	s20 =	simm.s32 $0x0;
	[sflag:s31] =	ssyncset.done $0x0  }
0x181: {  	s18 =	sand.u32 $0x1F0, s20;
	[sflag:s31] =	ssyncadd.s32 $0xFFFFFE00  }
0x182: {  	v2 =	vld [tilespmem:s18+$0x3980]  }
0x183: {  	v3 =	vld [tilespmem:s17+$0x0];
	_ =	sdelay $0x1  }
0x184: {  	v4 =	vld [tilespmem:s18+$0x3B80];
	_ =	sdelay $0x1  }
0x185: {  	v5 =	vld [tilespmem:s18+$0x3D80]  }
0x186: {  	v2 =	vadd.f32 v2, v3  }
0x187: {  	v3 =	vld [tilespmem:s18+$0x3F80]  }
0x188: {  	v2 =	vadd.f32 v4, v2  }
0x189: {  	v56 =	vld [tilespmem:s18+$0x4180]  }
0x18a: {  	v2 =	vadd.f32 v5, v2  }
0x18b: {  	v57 =	vld [tilespmem:s18+$0x4380]  }
0x18c: {  	v2 =	vadd.f32 v3, v2  }
0x18d: {  	v3 =	vld [tilespmem:s18+$0x4580]  }
0x18e: {  	v2 =	vadd.f32 v56, v2  }
0x18f: {  	v58 =	vld [tilespmem:s18+$0x4780]  }
0x190: {  	v2 =	vadd.f32 v57, v2  }
0x191: {  	v59 =	vld [tilespmem:s18+$0x4980]  }
0x192: {  	v2 =	vadd.f32 v3, v2  }
0x193: {  	v3 =	vld [tilespmem:s18+$0x4B80]  }
0x194: {  	v2 =	vadd.f32 v58, v2  }
0x195: {  	v60 =	vld [tilespmem:s18+$0x4D80]  }
0x196: {  	v2 =	vadd.f32 v59, v2  }
0x197: {  	v61 =	vld [tilespmem:s18+$0x4F80]  }
0x198: {  	v2 =	vadd.f32 v3, v2  }
0x199: {  	v3 =	vld [tilespmem:s18+$0x5180]  }
0x19a: {  	v2 =	vadd.f32 v60, v2  }
0x19b: {  	v62 =	vld [tilespmem:s18+$0x5380]  }
0x19c: {  	v2 =	vadd.f32 v61, v2  }
0x19d: {  	v63 =	vld [tilespmem:s18+$0x5580]  }
0x19e: {  	v2 =	vadd.f32 v3, v2;
	_ =	sdelay $0x1  }
0x19f: {  	v2 =	vadd.f32 v62, v2;
	_ =	sdelay $0x1  }
0x1a0: {  	v2 =	vadd.f32 v63, v2  }
0x1a1: {  	s21 =	simm.s32 $0x10;
	s17 =	simm.s32 $0x3580  }
0x1a2: {  	s18 =	sand.u32 $0x1F0, s21;
	[tilespmem:s17+$0x0] =	vst v2  }
0x1a3: {  	s20 =	simm.s32 $0x20;
	s19 =	simm.s32 $0x3790;
	v2 =	vld [tilespmem:s18+$0x3980]  }
.LBB2_9:
0x1a4: {  	p2 =	sne.s32 s20, $0x1F0;
	v3 =	vld [tilespmem:s19+$0x0];
	_ =	sdelay $0x1  }
0x1a5: {  	v4 =	vld [tilespmem:s18+$0x3B80];
	_ =	sdelay $0x1  }
0x1a6: {  	v5 =	vld [tilespmem:s18+$0x3D80]  }
0x1a7: {  	v2 =	vadd.f32 v2, v3  }
0x1a8: {  	v3 =	vld [tilespmem:s18+$0x3F80]  }
0x1a9: {  	v2 =	vadd.f32 v4, v2  }
0x1aa: {  	v4 =	vld [tilespmem:s18+$0x4180]  }
0x1ab: {  	v2 =	vadd.f32 v5, v2  }
0x1ac: {  	v5 =	vld [tilespmem:s18+$0x4380]  }
0x1ad: {  	v2 =	vadd.f32 v3, v2  }
0x1ae: {  	v3 =	vld [tilespmem:s18+$0x4580]  }
0x1af: {  	v2 =	vadd.f32 v4, v2  }
0x1b0: {  	v4 =	vld [tilespmem:s18+$0x4780]  }
0x1b1: {  	v2 =	vadd.f32 v5, v2  }
0x1b2: {  	v5 =	vld [tilespmem:s18+$0x4980]  }
0x1b3: {  	v2 =	vadd.f32 v3, v2  }
0x1b4: {  	v3 =	vld [tilespmem:s18+$0x4B80]  }
0x1b5: {  	v2 =	vadd.f32 v4, v2  }
0x1b6: {  	v4 =	vld [tilespmem:s18+$0x4D80]  }
0x1b7: {  	v2 =	vadd.f32 v5, v2  }
0x1b8: {  	v5 =	vld [tilespmem:s18+$0x4F80]  }
0x1b9: {  	v2 =	vadd.f32 v3, v2  }
0x1ba: {  	v3 =	vld [tilespmem:s18+$0x5180]  }
0x1bb: {  	v2 =	vadd.f32 v4, v2  }
0x1bc: {  	v4 =	vld [tilespmem:s18+$0x5380]  }
0x1bd: {  	v2 =	vadd.f32 v5, v2  }
0x1be: {  	v5 =	vld [tilespmem:s18+$0x5580]  }
0x1bf: {  	v2 =	vadd.f32 v3, v2;
	_ =	sdelay $0x1  }
0x1c0: {  	v2 =	vadd.f32 v4, v2  }
.Ltmp6:
0x1c1: {  	(pc) =	sbr.rel @p2 .LBB2_9-.Ltmp6, $4  }
0x1c2: {  	v2 =	vadd.f32 v5, v2  }
0x1c3: {  	s17 =	sadd.s32 $0x10, s17  }
0x1c4: {  	s18 =	sand.u32 $0x1F0, s20;
	[tilespmem:s17+$0x0] =	vst v2  }
0x1c5: {  	s19 =	sadd.s32 $0x10, s19;
	s20 =	sadd.s32 $0x10, s20;
	v2 =	vld [tilespmem:s18+$0x3980]  }
.Ltmp7:
0x1c6: {  	_ = 	snop;
	(pc) =	sbr.rel .LBB2_10-.Ltmp7, $1  }
0x1c7: {  	_ =	sdelay $0x3  }
.LBB2_12:
0x1c8: {  	_ =	sfence.sel $0x180000  }
0x1c9: {  	[bflag:$0x0] =	sbarrier.arrive $0xFFFF  }
0x1ca: {  	_ =	strace $0x90000047  }
0x1cb: {  	[bflag:$0x2] =	sbarrier.arrive $0xFFFF  }
0x1cc: {  	s0 =	rddreg [dreg:$0x6]  }
0x1cd: {  	s0 =	sadd.s32 @!p0 $0x100000, s0  }
0x1ce: {  	[sflag:s0] =	ssyncadd.tile.s32 @!p0 $0x1;
	_ =	shalt  }
.Lfunc_end2:
_tile_overlayer_lowered:
.L_overlay_start_2:
0x1cf: {  	(tag) =	ssettag $0x2  }
0x1d0: {  	s0 =	rddreg [dreg:$0x0];
	s2 =	stileid.u32  }
0x1d1: {  	s1 =	rddreg [dreg:$0x1];
	p0 =	sne.s32 s2, $0x0  }
0x1d2: {  	s3 =	rddreg [dreg:$0x2];
	[bflag:$0x3] =	sbarrier.arrive $0xFFFF;
	s2 =	simm.s32 @!p0 $0x1C01  }
0x1d3: {  	[timem:s3], [sflag:s2] =	dma.local @!p0 [hbm:s0], s1  }
0x1d4: {  	s0 =	simm.s32 @!p0 $0x1  }
0x1d5: {  	_ =	swait.ge @!p0 [sflag:s0], s1  }
0x1d6: {  	s1 =	ssub.s32 @!p0 $0x0, s1;
	[sflag:s0] =	ssyncset.done @!p0 $0x0  }
0x1d7: {  	[sflag:s0] =	ssyncadd.s32 @!p0 s1  }
0x1d8: {  	[bflag:$0x3] =	sbarrier.arrive $0xFFFF  }
0x1d9: {  	_ =	shalt  }

</sc_bundles>
